<compile_context>
chip_gen: v7x
topology: tpu7x:2x2x1
jax: 0.10.2.dev20260603
libtpu: 0.0.44.dev20260713+nightly
codegen_flags: <defaults>
</compile_context>

<pallas_src>
import functools

import jax
import jax.numpy as jnp
from jax import lax
from jax.experimental import pallas as pl
from jax.experimental.pallas import tpu as pltpu
from jax.experimental.pallas import tpu_sc as plsc

N = 10000
D = 128
H = 128
R = 16
T = 4

NC = 2
NS = 16
NW = NC * NS
CHUNK = 128
SCOPY = 128
SEG = 30

NCH_S0, NCH_S1 = 118, 40
NCH_S_CAP = 120
NCH_U0, NCH_U1 = 80, 80

SROWS = 10240
UROWS = 4 * SROWS


YW = 24


def _y1_body(x_ref, b_ref, o_ref):
    y = jnp.dot(x_ref[...], b_ref[0].T, preferred_element_type=jnp.float32)
    one = jnp.ones((N, 1), jnp.float32)
    zero = jnp.zeros((N, YW - R - 1), jnp.float32)
    o_ref[0] = jnp.concatenate([y, one, zero], axis=-1)


def _build_y1(x, b_src):
    return pl.pallas_call(
        _y1_body,
        grid=(T,),
        in_specs=[
            pl.BlockSpec((N, D), lambda t: (0, 0)),
            pl.BlockSpec((1, R, D), lambda t: (t, 0, 0)),
        ],
        out_specs=pl.BlockSpec((1, N, YW), lambda t: (t, 0, 0)),
        out_shape=jax.ShapeDtypeStruct((T, N, YW), jnp.float32),
    )(x, b_src)


_SC_MESH = dict(core_axis_name="c", subcore_axis_name="s")


def _sc_s_kernel():

    @functools.partial(
        pl.kernel,
        mesh=plsc.VectorSubcoreMesh(**_SC_MESH),
        compiler_params=pltpu.CompilerParams(use_tc_tiling_on_sc=False),
        out_type=[
            jax.ShapeDtypeStruct((NC, SROWS, D), jnp.float32),
        ],
        scratch_types=[
            pltpu.VMEM((SEG, CHUNK), jnp.int32),
            pltpu.VMEM((SEG, CHUNK), jnp.int32),
            pltpu.VMEM((CHUNK, D), jnp.float32),
            pltpu.VMEM((CHUNK, D), jnp.float32),
            pltpu.VMEM_SHARED((SROWS, D), jnp.float32),
            pltpu.SemaphoreType.DMA,
            pltpu.SemaphoreType.DMA,
        ],
    )
    def k(x_hbm, row_h, col_h, s_out, rowv, colv, xb0, xb1, s_sh, sm0, sm1):
        cid = lax.axis_index("c")
        sid = lax.axis_index("s")
        gid = cid * NS + sid
        n_chunks = jnp.where(cid == 0, NCH_S0, NCH_S1)
        n_pairs = n_chunks // 2

        zx = jnp.zeros((16,), jnp.float32)
        def zxb(i, _):
            def zrow(j, _):
                xb0[i, pl.ds(j * 16, 16)] = zx
                return 0
            lax.fori_loop(0, D // 16, zrow, 0)
            return 0
        lax.fori_loop(0, CHUNK, zxb, 0)

        s_per_tile = SROWS // NS
        def zs(i, _):
            base = sid * s_per_tile + i * SCOPY
            pltpu.sync_copy(xb0.at[pl.ds(0, SCOPY)],
                            s_sh.at[pl.ds(base, SCOPY)])
            return 0
        lax.fori_loop(0, s_per_tile // SCOPY, zs, 0)

        plsc.subcore_barrier()

        def segment(g, _):
            @pl.when(g * SEG < n_chunks)
            def _():
                pltpu.sync_copy(row_h.at[gid, pl.ds(g * SEG, SEG)], rowv)
                pltpu.sync_copy(col_h.at[gid, pl.ds(g * SEG, SEG)], colv)
                pltpu.async_copy(x_hbm.at[rowv.at[0]], xb0, sm0)

                def pair(p, _):
                    gp = g * (SEG // 2) + p
                    @pl.when(gp < n_pairs)
                    def _():
                        c0 = 2 * p
                        pltpu.async_copy(x_hbm.at[rowv.at[c0 + 1]], xb1, sm1)
                        pltpu.make_async_copy(
                            x_hbm.at[rowv.at[c0]], xb0, sm0).wait()
                        pltpu.sync_copy(xb0, s_sh.at[colv.at[c0]], add=True)

                        @pl.when((p < SEG // 2 - 1) & (gp < n_pairs - 1))
                        def _():
                            pltpu.async_copy(
                                x_hbm.at[rowv.at[c0 + 2]], xb0, sm0)
                        pltpu.make_async_copy(
                            x_hbm.at[rowv.at[c0 + 1]], xb1, sm1).wait()
                        pltpu.sync_copy(
                            xb1, s_sh.at[colv.at[c0 + 1]], add=True)
                    return 0

                lax.fori_loop(0, SEG // 2, pair, 0)
            return 0

        lax.fori_loop(0, NCH_S_CAP // SEG, segment, 0)

        plsc.subcore_barrier()

        def ws(i, _):
            base = sid * s_per_tile + i * SCOPY
            pltpu.sync_copy(s_sh.at[pl.ds(base, SCOPY)],
                            s_out.at[cid, pl.ds(base, SCOPY)])
            return 0
        lax.fori_loop(0, s_per_tile // SCOPY, ws, 0)

    return k


def _sc_u_kernel(nch_max):

    @functools.partial(
        pl.kernel,
        mesh=plsc.VectorSubcoreMesh(**_SC_MESH),
        compiler_params=pltpu.CompilerParams(use_tc_tiling_on_sc=False),
        out_type=[
            jax.ShapeDtypeStruct((NC, UROWS, YW), jnp.float32),
            jax.ShapeDtypeStruct((NC, UROWS), jnp.float32),
        ],
        scratch_types=[
            pltpu.VMEM((nch_max, CHUNK), jnp.int32),
            pltpu.VMEM((nch_max, CHUNK), jnp.int32),
            pltpu.VMEM((nch_max, CHUNK), jnp.float32),
            pltpu.VMEM((CHUNK, YW), jnp.float32),
            pltpu.VMEM((CHUNK, YW), jnp.float32),
            pltpu.VMEM_SHARED((UROWS, YW), jnp.float32),
            pltpu.VMEM_SHARED((UROWS,), jnp.float32),
            pltpu.SemaphoreType.DMA,
            pltpu.SemaphoreType.DMA,
        ],
    )
    def k(y1_hbm, gsrc_h, gdst_h, dist_h, u_out, dsum_out,
          gsrc3, gdst3, dist3, yb0, yb1, u_sh, dsum_sh, sm0, sm1):
        cid = lax.axis_index("c")
        sid = lax.axis_index("s")
        gid = cid * NS + sid
        n_pairs = jnp.where(cid == 0, NCH_U0 // 2, NCH_U1 // 2)

        pltpu.sync_copy(gsrc_h.at[gid], gsrc3)
        pltpu.sync_copy(gdst_h.at[gid], gdst3)
        pltpu.sync_copy(dist_h.at[gid], dist3)

        zx = jnp.zeros((16,), jnp.float32)
        def zyb(i, _):
            yb0[i, pl.ds(0, 16)] = zx
            yb0[i, pl.ds(YW - 16, 16)] = zx
            return 0
        lax.fori_loop(0, CHUNK, zyb, 0)
        def zd(j, _):
            dist3[0, pl.ds(j * 16, 16)] = zx
            return 0
        lax.fori_loop(0, CHUNK // 16, zd, 0)

        u_per_tile = UROWS // NS
        def zu(i, _):
            base = sid * u_per_tile + i * CHUNK
            pltpu.sync_copy(yb0, u_sh.at[pl.ds(base, CHUNK)])
            pltpu.sync_copy(dist3.at[0], dsum_sh.at[pl.ds(base, CHUNK)])
            return 0
        lax.fori_loop(0, u_per_tile // CHUNK, zu, 0)

        plsc.subcore_barrier()

        pltpu.sync_copy(dist_h.at[gid], dist3)
        pltpu.async_copy(y1_hbm.at[gsrc3.at[0]], yb0, sm0)

        def pair(p, _):
            @pl.when(p < n_pairs)
            def _():
                c0 = 2 * p
                pltpu.async_copy(y1_hbm.at[gsrc3.at[c0 + 1]], yb1, sm1)
                pltpu.make_async_copy(
                    y1_hbm.at[gsrc3.at[c0]], yb0, sm0).wait()
                pltpu.sync_copy(yb0, u_sh.at[gdst3.at[c0]], add=True)
                pltpu.sync_copy(dist3.at[c0],
                                dsum_sh.at[gdst3.at[c0]], add=True)

                @pl.when(p < n_pairs - 1)
                def _():
                    pltpu.async_copy(y1_hbm.at[gsrc3.at[c0 + 2]], yb0, sm0)
                pltpu.make_async_copy(
                    y1_hbm.at[gsrc3.at[c0 + 1]], yb1, sm1).wait()
                pltpu.sync_copy(yb1, u_sh.at[gdst3.at[c0 + 1]], add=True)
                pltpu.sync_copy(dist3.at[c0 + 1],
                                dsum_sh.at[gdst3.at[c0 + 1]], add=True)
            return 0

        lax.fori_loop(0, max(NCH_U0, NCH_U1) // 2, pair, 0)

        plsc.subcore_barrier()

        def wu(i, _):
            base = sid * u_per_tile + i * CHUNK
            pltpu.sync_copy(u_sh.at[pl.ds(base, CHUNK)],
                            u_out.at[cid, pl.ds(base, CHUNK)])
            return 0
        lax.fori_loop(0, u_per_tile // CHUNK, wu, 0)
        ubase = sid * u_per_tile
        pltpu.sync_copy(dsum_sh.at[pl.ds(ubase, u_per_tile)],
                        dsum_out.at[cid, pl.ds(ubase, u_per_tile)])

    return k


def _finish_body(x_ref, s_ref, u_ref, dsum_ref,
                 wsrc_ref, wtgt_ref, wsd_ref, aw_ref, ab_ref,
                 btgt_ref, bd_ref, wres_ref, wmx_ref, wma_ref, bmlp_ref,
                 o_ref):
    xb = x_ref[...]
    S = s_ref[0] + s_ref[1]
    uw = u_ref[0] + u_ref[1]
    cnt = uw[:, :, R]
    dsum = dsum_ref[0] + dsum_ref[1]
    deg = jnp.sum(cnt, axis=0)[:, None]
    dtot = jnp.sum(dsum, axis=0)[:, None]

    low = jnp.zeros_like(xb)
    for t in range(T):
        u_t = uw[t, :, :R]
        y2_t = jnp.dot(xb, btgt_ref[t].T,
                       preferred_element_type=jnp.float32)
        v_t = u_t + cnt[t][:, None] * y2_t + dsum[t][:, None] * bd_ref[t][None, :]
        low = low + jnp.dot(v_t, aw_ref[t].T,
                            preferred_element_type=jnp.float32)
        low = low + cnt[t][:, None] * ab_ref[t][None, :]

    sh = jnp.dot(S, wsrc_ref[...].T, preferred_element_type=jnp.float32)
    sh = sh + deg * jnp.dot(xb, wtgt_ref[...].T,
                            preferred_element_type=jnp.float32)
    sh = sh + dtot * wsd_ref[...][None, :]

    aggr = (low + sh) / jnp.maximum(deg, 1.0)

    out = jnp.dot(xb, wres_ref[...].T, preferred_element_type=jnp.float32)
    pre = (jnp.dot(xb, wmx_ref[...].T, preferred_element_type=jnp.float32)
           + jnp.dot(aggr, wma_ref[...].T, preferred_element_type=jnp.float32)
           + bmlp_ref[...][None, :])
    o_ref[...] = out + jnp.maximum(pre, 0.0)


def _finish(x, s2, u2, dsum2, wsrc, wtgt, wsd, a_w, a_b,
            b_tgt, b_d, w_res, wm_x, wm_a, b_mlp):
    BN = 1024
    grid = (SROWS // BN,)
    return pl.pallas_call(
        _finish_body,
        grid=grid,
        in_specs=[
            pl.BlockSpec((BN, D), lambda i: (i, 0)),
            pl.BlockSpec((NC, BN, D), lambda i: (0, i, 0)),
            pl.BlockSpec((NC, T, BN, YW), lambda i: (0, 0, i, 0)),
            pl.BlockSpec((NC, T, BN), lambda i: (0, 0, i)),
            pl.BlockSpec((H, D), lambda i: (0, 0)),
            pl.BlockSpec((H, D), lambda i: (0, 0)),
            pl.BlockSpec((H,), lambda i: (0,)),
            pl.BlockSpec((T, H, R), lambda i: (0, 0, 0)),
            pl.BlockSpec((T, H), lambda i: (0, 0)),
            pl.BlockSpec((T, R, D), lambda i: (0, 0, 0)),
            pl.BlockSpec((T, R), lambda i: (0, 0)),
            pl.BlockSpec((H, D), lambda i: (0, 0)),
            pl.BlockSpec((H, D), lambda i: (0, 0)),
            pl.BlockSpec((H, H), lambda i: (0, 0)),
            pl.BlockSpec((H,), lambda i: (0,)),
        ],
        out_specs=pl.BlockSpec((BN, H), lambda i: (i, 0)),
        out_shape=jax.ShapeDtypeStruct((SROWS, H), jnp.float32),
    )(x, s2, u2, dsum2, wsrc, wtgt, wsd, a_w, a_b,
      b_tgt, b_d, w_res, wm_x, wm_a, b_mlp)


def kernel(node_embed, node_pos, edge_index, edge_attr,
           A_w, A_b, B_w, W_shared, W_res, W_mlp, b_mlp):
    E = edge_index.shape[1]
    row = edge_index[0].astype(jnp.int32)
    col = edge_index[1].astype(jnp.int32)
    etype = edge_attr[:, 0].astype(jnp.int32)
    dist = edge_attr[:, 1].astype(jnp.float32)

    wsrc = W_shared[:, :D]
    wtgt = W_shared[:, D:2 * D]
    wsd = W_shared[:, 2 * D]
    b_src = B_w[:, :, :D]
    b_tgt = B_w[:, :, D:2 * D]
    b_d = B_w[:, :, 2 * D]
    wm_x = W_mlp[:, :D]
    wm_a = W_mlp[:, D:]

    def layout(arr, fill, nch0, nch1, cap):
        tot0 = NS * nch0 * CHUNK
        tot1 = NS * nch1 * CHUNK
        p = jnp.concatenate(
            [arr, jnp.full((tot0 + tot1 - E,), fill, arr.dtype)])
        a0 = p[:tot0].reshape(NS, nch0, CHUNK)
        a1 = p[tot0:].reshape(NS, nch1, CHUNK)
        a0 = jnp.concatenate(
            [a0, jnp.full((NS, cap - nch0, CHUNK), fill, arr.dtype)], 1)
        a1 = jnp.concatenate(
            [a1, jnp.full((NS, cap - nch1, CHUNK), fill, arr.dtype)], 1)
        return jnp.concatenate([a0, a1], 0)

    gsrc = etype * N + row
    gdst = etype * SROWS + col
    row_p = layout(row, 0, NCH_S0, NCH_S1, NCH_S_CAP)
    col_p = layout(col, N, NCH_S0, NCH_S1, NCH_S_CAP)
    nch_u = max(NCH_U0, NCH_U1)
    gsrc_p = layout(gsrc, 0, NCH_U0, NCH_U1, nch_u)
    gdst_p = layout(gdst, UROWS - 1, NCH_U0, NCH_U1, nch_u)
    dist_p = layout(dist, 0.0, NCH_U0, NCH_U1, nch_u)

    ytab = _build_y1(node_embed, b_src).reshape(T * N, YW)

    (s2,) = _sc_s_kernel()(node_embed, row_p, col_p)
    u2, dsum2 = _sc_u_kernel(nch_u)(ytab, gsrc_p, gdst_p, dist_p)

    u2 = u2.reshape(NC, T, SROWS, YW)
    dsum2 = dsum2.reshape(NC, T, SROWS)

    x_pad = jnp.concatenate(
        [node_embed, jnp.zeros((SROWS - N, D), jnp.float32)])
    out = _finish(x_pad, s2, u2, dsum2, wsrc, wtgt, wsd,
                  A_w, A_b, b_tgt, b_d, W_res, wm_x, wm_a, b_mlp)
    return out[:N]

# --- scband reference (transcript-rebuilt; emitter-appended) ---
"""Pipeline reference for scband-equivariant-mplayer-41317585387560 (READ-ONLY COPY).

The authoritative reference and input builder live on the scoring server;
editing this copy changes nothing except your own understanding.
"""

import jax, jax.numpy as jnp
import numpy as np

N = 10000   # nodes
E = 320000  # edges
D = 128     # in_channels
H = 128     # hidden_channels
R = 16      # rank
T = 4       # number of edge types
MSG = 2 * D + 1  # message input size = 257


def setup_inputs(seed: int = 0) -> dict:
    key = jax.random.key(seed)
    ks = jax.random.split(key, 11)
    node_embed = jax.random.normal(ks[0], (N, D), dtype=jnp.float32)
    node_pos = jax.random.normal(ks[1], (N, 3), dtype=jnp.float32)
    edge_index = jax.random.randint(ks[2], (2, E), 0, N, dtype=jnp.int32)
    # edge_attr[:, 0] = edge type index in [0, T); edge_attr[:, 1] = node distance
    edge_attr = jax.random.randint(ks[3], (E, 2), 0, T).astype(jnp.float32)
    # Learned parameters (B_r is zero-init in the original; randomized here so the
    # low-rank path is numerically non-trivial)
    A_w = jax.random.normal(ks[4], (T, H, R), dtype=jnp.float32) / np.sqrt(R)
    A_b = jax.random.normal(ks[5], (T, H), dtype=jnp.float32) * 0.01
    B_w = jax.random.normal(ks[6], (T, R, MSG), dtype=jnp.float32) / np.sqrt(MSG)
    W_shared = jax.random.normal(ks[7], (H, MSG), dtype=jnp.float32) / np.sqrt(MSG)
    W_res = jax.random.normal(ks[8], (H, D), dtype=jnp.float32) / np.sqrt(D)
    W_mlp = jax.random.normal(ks[9], (H, D + H), dtype=jnp.float32) / np.sqrt(D + H)
    b_mlp = jnp.zeros((H,), dtype=jnp.float32)
    return {"node_embed": node_embed, "node_pos": node_pos, "edge_index": edge_index,
            "edge_attr": edge_attr, "A_w": A_w, "A_b": A_b, "B_w": B_w,
            "W_shared": W_shared, "W_res": W_res, "W_mlp": W_mlp, "b_mlp": b_mlp}


def reference(node_embed, node_pos, edge_index, edge_attr,
              A_w, A_b, B_w, W_shared, W_res, W_mlp, b_mlp):
    row = edge_index[0]
    col = edge_index[1]
    src = node_embed[row]          # gather [E, D]
    tgt = node_embed[col]          # gather [E, D]
    etype = edge_attr[:, 0].astype(jnp.int32)
    dist = edge_attr[:, 1]
    message_repr = jnp.concatenate([src, tgt, dist[:, None]], axis=-1)  # [E, MSG]
    shared = message_repr @ W_shared.T                                  # [E, H]
    # Per-edge-type low-rank term A_r(B_r(msg)), selected by mask (mirrors the
    # boolean-mask loop in the original forward; every edge has exactly one type)
    lowrank = jnp.zeros_like(shared)
    n_types = A_w.shape[0]
    for t in range(n_types):
        bt = message_repr @ B_w[t].T          # [E, R]
        at = bt @ A_w[t].T + A_b[t]           # [E, H]
        lowrank = jnp.where((etype == t)[:, None], at, lowrank)
    node_messages = lowrank + shared          # [E, H]
    # scatter-mean over destination nodes (col)
    n_nodes = node_embed.shape[0]
    deg = jax.ops.segment_sum(jnp.ones((node_messages.shape[0],), jnp.float32), col,
                              num_segments=n_nodes)
    aggr = jax.ops.segment_sum(node_messages, col, num_segments=n_nodes)
    aggr = aggr / jnp.maximum(deg, 1.0)[:, None]
    # NOTE: in the original, dropout(relu(aggr)) is computed then discarded;
    # the final output uses the raw aggr, matching this line:
    out = node_embed @ W_res.T + jax.nn.relu(
        jnp.concatenate([node_embed, aggr], axis=-1) @ W_mlp.T + b_mlp)
    return out

if __name__ == "__main__":
    import jax
    _d = setup_inputs()
    print(jax.jit(kernel)(*tuple(_d.values())))

</pallas_src>

<mosaic_0001>
#map = affine_map<(d0, d1) -> (0, 0)>
#map1 = affine_map<(d0, d1) -> (0, 0, 0)>
module attributes {stable_mosaic.version = 14 : i64} {
  func.func @k(%arg0: i32, %arg1: i32, %arg2: memref<40000x24xf32, #tpu.memory_space<hbm>>, %arg3: memref<32x80x128xi32, #tpu.memory_space<hbm>>, %arg4: memref<32x80x128xi32, #tpu.memory_space<hbm>>, %arg5: memref<32x80x128xf32, #tpu.memory_space<hbm>>, %arg6: memref<2x40960x24xf32, #tpu.memory_space<hbm>>, %arg7: memref<2x40960xf32, #tpu.memory_space<hbm>>, %arg8: memref<80x128xi32, #tpu.memory_space<vmem>>, %arg9: memref<80x128xi32, #tpu.memory_space<vmem>>, %arg10: memref<80x128xf32, #tpu.memory_space<vmem>>, %arg11: memref<128x24xf32, #tpu.memory_space<vmem>>, %arg12: memref<128x24xf32, #tpu.memory_space<vmem>>, %arg13: memref<40960x24xf32, #tpu.memory_space<vmem_shared>>, %arg14: memref<40960xf32, #tpu.memory_space<vmem_shared>>, %arg15: memref<!tpu.dma_semaphore, #tpu.memory_space<semaphore_mem>>, %arg16: memref<!tpu.dma_semaphore, #tpu.memory_space<semaphore_mem>>) attributes {dimension_semantics = [#tpu.dimension_semantics<core_parallel>, #tpu.dimension_semantics<subcore_parallel>], iteration_bounds = array<i64: 2, 16>, scalar_prefetch = 0 : i64, scratch_operands = 9 : i64, tpu.core_type = #tpu.core_type<sc_vector_subcore>, window_params = [{transform_indices = #map}, {transform_indices = #map1}, {transform_indices = #map1}, {transform_indices = #map1}, {transform_indices = #map1}, {transform_indices = #map}]} {
    %mul3A = arith.constant 16 : i32
    %mul3A_0 = arith.muli %arg0, %mul3A : i32
    %add3A = arith.addi %mul3A_0, %arg1 : i32
    %eq3A = arith.constant 0 : i32
    %eq3A_1 = arith.cmpi eq, %arg0, %eq3A : i32
    %jit3A = arith.constant 40 : i32
    %jit3A_2 = arith.constant 40 : i32
    %select_n3A = arith.select %eq3A_1, %jit3A, %jit3A_2 : i32
    "tpu.region"() ({
      %run_scoped3A = tpu.sem_alloc : memref<!tpu.dma_semaphore, #tpu.memory_space<semaphore_mem>>
      %dma_start3A_47 = arith.constant 0 : i32
      %dma_start3A_48 = arith.constant 0 : i32
      %dma_start3A_49 = tpu.memref_slice %arg3[%add3A, %dma_start3A_47, %dma_start3A_48] : memref<32x80x128xi32, #tpu.memory_space<hbm>> -> memref<1x80x128xi32, #tpu.memory_space<hbm>>
      %dma_start3A_50 = tpu.memref_squeeze %dma_start3A_49 : memref<1x80x128xi32, #tpu.memory_space<hbm>> -> memref<80x128xi32, #tpu.memory_space<hbm>>
      %dma_start3A_51 = arith.constant 0 : i32
      %dma_start3A_52 = arith.constant 0 : i32
      %dma_start3A_53 = tpu.memref_slice %arg3[%add3A, %dma_start3A_51, %dma_start3A_52] : memref<32x80x128xi32, #tpu.memory_space<hbm>> -> memref<1x80x128xi32, #tpu.memory_space<hbm>>
      %dma_start3A_54 = tpu.memref_squeeze %dma_start3A_53 : memref<1x80x128xi32, #tpu.memory_space<hbm>> -> memref<80x128xi32, #tpu.memory_space<hbm>>
      tpu.enqueue_dma source(%dma_start3A_54 : memref<80x128xi32, #tpu.memory_space<hbm>>) target(%arg8 : memref<80x128xi32, #tpu.memory_space<vmem>>) target_semaphore(%run_scoped3A : memref<!tpu.dma_semaphore, #tpu.memory_space<semaphore_mem>>)
      %dma_wait3A = arith.constant 0 : i32
      %dma_wait3A_55 = arith.constant 0 : i32
      %dma_wait3A_56 = tpu.memref_slice %arg3[%add3A, %dma_wait3A, %dma_wait3A_55] : memref<32x80x128xi32, #tpu.memory_space<hbm>> -> memref<1x80x128xi32, #tpu.memory_space<hbm>>
      %dma_wait3A_57 = tpu.memref_squeeze %dma_wait3A_56 : memref<1x80x128xi32, #tpu.memory_space<hbm>> -> memref<80x128xi32, #tpu.memory_space<hbm>>
      %dma_wait3A_58 = arith.constant 0 : i32
      %dma_wait3A_59 = arith.constant 0 : i32
      %dma_wait3A_60 = tpu.memref_slice %arg3[%add3A, %dma_wait3A_58, %dma_wait3A_59] : memref<32x80x128xi32, #tpu.memory_space<hbm>> -> memref<1x80x128xi32, #tpu.memory_space<hbm>>
      %dma_wait3A_61 = tpu.memref_squeeze %dma_wait3A_60 : memref<1x80x128xi32, #tpu.memory_space<hbm>> -> memref<80x128xi32, #tpu.memory_space<hbm>>
      tpu.wait_dma2 semaphore(%run_scoped3A : memref<!tpu.dma_semaphore, #tpu.memory_space<semaphore_mem>>) src(%dma_wait3A_61 : memref<80x128xi32, #tpu.memory_space<hbm>>) dst(%arg8 : memref<80x128xi32, #tpu.memory_space<vmem>>)
      tpu.yield
    }) : () -> ()
    "tpu.region"() ({
      %run_scoped3A = tpu.sem_alloc : memref<!tpu.dma_semaphore, #tpu.memory_space<semaphore_mem>>
      %dma_start3A_47 = arith.constant 0 : i32
      %dma_start3A_48 = arith.constant 0 : i32
      %dma_start3A_49 = tpu.memref_slice %arg4[%add3A, %dma_start3A_47, %dma_start3A_48] : memref<32x80x128xi32, #tpu.memory_space<hbm>> -> memref<1x80x128xi32, #tpu.memory_space<hbm>>
      %dma_start3A_50 = tpu.memref_squeeze %dma_start3A_49 : memref<1x80x128xi32, #tpu.memory_space<hbm>> -> memref<80x128xi32, #tpu.memory_space<hbm>>
      %dma_start3A_51 = arith.constant 0 : i32
      %dma_start3A_52 = arith.constant 0 : i32
      %dma_start3A_53 = tpu.memref_slice %arg4[%add3A, %dma_start3A_51, %dma_start3A_52] : memref<32x80x128xi32, #tpu.memory_space<hbm>> -> memref<1x80x128xi32, #tpu.memory_space<hbm>>
      %dma_start3A_54 = tpu.memref_squeeze %dma_start3A_53 : memref<1x80x128xi32, #tpu.memory_space<hbm>> -> memref<80x128xi32, #tpu.memory_space<hbm>>
      tpu.enqueue_dma source(%dma_start3A_54 : memref<80x128xi32, #tpu.memory_space<hbm>>) target(%arg9 : memref<80x128xi32, #tpu.memory_space<vmem>>) target_semaphore(%run_scoped3A : memref<!tpu.dma_semaphore, #tpu.memory_space<semaphore_mem>>)
      %dma_wait3A = arith.constant 0 : i32
      %dma_wait3A_55 = arith.constant 0 : i32
      %dma_wait3A_56 = tpu.memref_slice %arg4[%add3A, %dma_wait3A, %dma_wait3A_55] : memref<32x80x128xi32, #tpu.memory_space<hbm>> -> memref<1x80x128xi32, #tpu.memory_space<hbm>>
      %dma_wait3A_57 = tpu.memref_squeeze %dma_wait3A_56 : memref<1x80x128xi32, #tpu.memory_space<hbm>> -> memref<80x128xi32, #tpu.memory_space<hbm>>
      %dma_wait3A_58 = arith.constant 0 : i32
      %dma_wait3A_59 = arith.constant 0 : i32
      %dma_wait3A_60 = tpu.memref_slice %arg4[%add3A, %dma_wait3A_58, %dma_wait3A_59] : memref<32x80x128xi32, #tpu.memory_space<hbm>> -> memref<1x80x128xi32, #tpu.memory_space<hbm>>
      %dma_wait3A_61 = tpu.memref_squeeze %dma_wait3A_60 : memref<1x80x128xi32, #tpu.memory_space<hbm>> -> memref<80x128xi32, #tpu.memory_space<hbm>>
      tpu.wait_dma2 semaphore(%run_scoped3A : memref<!tpu.dma_semaphore, #tpu.memory_space<semaphore_mem>>) src(%dma_wait3A_61 : memref<80x128xi32, #tpu.memory_space<hbm>>) dst(%arg9 : memref<80x128xi32, #tpu.memory_space<vmem>>)
      tpu.yield
    }) : () -> ()
    "tpu.region"() ({
      %run_scoped3A = tpu.sem_alloc : memref<!tpu.dma_semaphore, #tpu.memory_space<semaphore_mem>>
      %dma_start3A_47 = arith.constant 0 : i32
      %dma_start3A_48 = arith.constant 0 : i32
      %dma_start3A_49 = tpu.memref_slice %arg5[%add3A, %dma_start3A_47, %dma_start3A_48] : memref<32x80x128xf32, #tpu.memory_space<hbm>> -> memref<1x80x128xf32, #tpu.memory_space<hbm>>
      %dma_start3A_50 = tpu.memref_squeeze %dma_start3A_49 : memref<1x80x128xf32, #tpu.memory_space<hbm>> -> memref<80x128xf32, #tpu.memory_space<hbm>>
      %dma_start3A_51 = arith.constant 0 : i32
      %dma_start3A_52 = arith.constant 0 : i32
      %dma_start3A_53 = tpu.memref_slice %arg5[%add3A, %dma_start3A_51, %dma_start3A_52] : memref<32x80x128xf32, #tpu.memory_space<hbm>> -> memref<1x80x128xf32, #tpu.memory_space<hbm>>
      %dma_start3A_54 = tpu.memref_squeeze %dma_start3A_53 : memref<1x80x128xf32, #tpu.memory_space<hbm>> -> memref<80x128xf32, #tpu.memory_space<hbm>>
      tpu.enqueue_dma source(%dma_start3A_54 : memref<80x128xf32, #tpu.memory_space<hbm>>) target(%arg10 : memref<80x128xf32, #tpu.memory_space<vmem>>) target_semaphore(%run_scoped3A : memref<!tpu.dma_semaphore, #tpu.memory_space<semaphore_mem>>)
      %dma_wait3A = arith.constant 0 : i32
      %dma_wait3A_55 = arith.constant 0 : i32
      %dma_wait3A_56 = tpu.memref_slice %arg5[%add3A, %dma_wait3A, %dma_wait3A_55] : memref<32x80x128xf32, #tpu.memory_space<hbm>> -> memref<1x80x128xf32, #tpu.memory_space<hbm>>
      %dma_wait3A_57 = tpu.memref_squeeze %dma_wait3A_56 : memref<1x80x128xf32, #tpu.memory_space<hbm>> -> memref<80x128xf32, #tpu.memory_space<hbm>>
      %dma_wait3A_58 = arith.constant 0 : i32
      %dma_wait3A_59 = arith.constant 0 : i32
      %dma_wait3A_60 = tpu.memref_slice %arg5[%add3A, %dma_wait3A_58, %dma_wait3A_59] : memref<32x80x128xf32, #tpu.memory_space<hbm>> -> memref<1x80x128xf32, #tpu.memory_space<hbm>>
      %dma_wait3A_61 = tpu.memref_squeeze %dma_wait3A_60 : memref<1x80x128xf32, #tpu.memory_space<hbm>> -> memref<80x128xf32, #tpu.memory_space<hbm>>
      tpu.wait_dma2 semaphore(%run_scoped3A : memref<!tpu.dma_semaphore, #tpu.memory_space<semaphore_mem>>) src(%dma_wait3A_61 : memref<80x128xf32, #tpu.memory_space<hbm>>) dst(%arg10 : memref<80x128xf32, #tpu.memory_space<vmem>>)
      tpu.yield
    }) : () -> ()
    %broadcast_in_dim3A = arith.constant 0.000000e+00 : f32
    %broadcast_in_dim3A_3 = vector.broadcast %broadcast_in_dim3A : f32 to vector<16xf32>
    %scan3A = arith.constant 0 : i32
    %scan3A_4 = arith.constant 0 : i32
    %scan3A_5 = arith.constant 128 : i32
    %scan3A_6 = arith.addi %scan3A_4, %scan3A_5 : i32
    %scan3A_7 = arith.constant 1 : i32
    %scan3A_8 = scf.for %scan3A_47 = %scan3A_4 to %scan3A_6 step %scan3A_7 iter_args(%scan3A_48 = %scan3A) -> (i32)  : i32 {
      %swap3A = arith.index_cast %scan3A_47 : i32 to index
      %swap3A_49 = arith.constant 0 : index
      %swap3A_50 = tpu.vector_load %arg11[%swap3A, %swap3A_49] {strides = array<i32>} : memref<128x24xf32, #tpu.memory_space<vmem>>, vector<1x16xf32>,
      %swap3A_51 = vector.shape_cast %swap3A_50 : vector<1x16xf32> to vector<16xf32>
      %swap3A_52 = vector.shape_cast %broadcast_in_dim3A_3 : vector<16xf32> to vector<1x16xf32>
      tpu.vector_store %arg11[%swap3A, %swap3A_49], %swap3A_52 {strides = array<i32>} : memref<128x24xf32, #tpu.memory_space<vmem>>, vector<1x16xf32>,
      %swap3A_53 = arith.index_cast %scan3A_47 : i32 to index
      %swap3A_54 = arith.constant 8 : index
      %swap3A_55 = tpu.vector_load %arg11[%swap3A_53, %swap3A_54] {strides = array<i32>} : memref<128x24xf32, #tpu.memory_space<vmem>>, vector<1x16xf32>,
      %swap3A_56 = vector.shape_cast %swap3A_55 : vector<1x16xf32> to vector<16xf32>
      %swap3A_57 = vector.shape_cast %broadcast_in_dim3A_3 : vector<16xf32> to vector<1x16xf32>
      tpu.vector_store %arg11[%swap3A_53, %swap3A_54], %swap3A_57 {strides = array<i32>} : memref<128x24xf32, #tpu.memory_space<vmem>>, vector<1x16xf32>,
      %scan3A_58 = arith.constant 0 : i32
      scf.yield %scan3A_58 : i32
    }
    %scan3A_9 = arith.constant 128 : i32
    %scan3A_10 = arith.constant 0 : i32
    %scan3A_11 = arith.constant 0 : i32
    %scan3A_12 = arith.constant 8 : i32
    %scan3A_13 = arith.addi %scan3A_11, %scan3A_12 : i32
    %scan3A_14 = arith.constant 1 : i32
    %scan3A_15 = scf.for %scan3A_47 = %scan3A_11 to %scan3A_13 step %scan3A_14 iter_args(%scan3A_48 = %scan3A_10) -> (i32)  : i32 {
      %mul3A_49 = arith.constant 16 : i32
      %mul3A_50 = arith.muli %scan3A_47, %mul3A_49 : i32
      %swap3A = arith.constant 0 : i32
      %swap3A_51 = arith.index_cast %swap3A : i32 to index
      %swap3A_52 = arith.index_cast %mul3A_50 : i32 to index
      %swap3A_53 = tpu.vector_load %arg10[%swap3A_51, %swap3A_52] {strides = array<i32>} : memref<80x128xf32, #tpu.memory_space<vmem>>, vector<1x16xf32>,
      %swap3A_54 = vector.shape_cast %swap3A_53 : vector<1x16xf32> to vector<16xf32>
      %swap3A_55 = vector.shape_cast %broadcast_in_dim3A_3 : vector<16xf32> to vector<1x16xf32>
      tpu.vector_store %arg10[%swap3A_51, %swap3A_52], %swap3A_55 {strides = array<i32>} : memref<80x128xf32, #tpu.memory_space<vmem>>, vector<1x16xf32>,
      %scan3A_56 = arith.constant 0 : i32
      scf.yield %scan3A_56 : i32
    }
    %scan3A_16 = arith.constant 8 : i32
    %scan3A_17 = arith.constant 0 : i32
    %scan3A_18 = arith.constant 0 : i32
    %scan3A_19 = arith.constant 20 : i32
    %scan3A_20 = arith.addi %scan3A_18, %scan3A_19 : i32
    %scan3A_21 = arith.constant 1 : i32
    %scan3A_22 = scf.for %scan3A_47 = %scan3A_18 to %scan3A_20 step %scan3A_21 iter_args(%scan3A_48 = %scan3A_17) -> (i32)  : i32 {
      %mul3A_49 = arith.constant 2560 : i32
      %mul3A_50 = arith.muli %arg1, %mul3A_49 : i32
      %mul3A_51 = arith.constant 128 : i32
      %mul3A_52 = arith.muli %scan3A_47, %mul3A_51 : i32
      %add3A_53 = arith.addi %mul3A_50, %mul3A_52 : i32
      "tpu.region"() ({
        %run_scoped3A_55 = tpu.sem_alloc : memref<!tpu.dma_semaphore, #tpu.memory_space<semaphore_mem>>
        %dma_start3A_56 = arith.constant 0 : i32
        %dma_start3A_57 = tpu.memref_slice %arg13[%add3A_53, %dma_start3A_56] : memref<40960x24xf32, #tpu.memory_space<vmem_shared>> -> memref<128x24xf32, #tpu.memory_space<vmem_shared>>
        %dma_start3A_58 = arith.constant 0 : i32
        %dma_start3A_59 = tpu.memref_slice %arg13[%add3A_53, %dma_start3A_58] : memref<40960x24xf32, #tpu.memory_space<vmem_shared>> -> memref<128x24xf32, #tpu.memory_space<vmem_shared>>
        tpu.enqueue_dma source(%arg11 : memref<128x24xf32, #tpu.memory_space<vmem>>) target(%dma_start3A_59 : memref<128x24xf32, #tpu.memory_space<vmem_shared>>) target_semaphore(%run_scoped3A_55 : memref<!tpu.dma_semaphore, #tpu.memory_space<semaphore_mem>>)
        %dma_wait3A = arith.constant 0 : i32
        %dma_wait3A_60 = tpu.memref_slice %arg13[%add3A_53, %dma_wait3A] : memref<40960x24xf32, #tpu.memory_space<vmem_shared>> -> memref<128x24xf32, #tpu.memory_space<vmem_shared>>
        %dma_wait3A_61 = arith.constant 0 : i32
        %dma_wait3A_62 = tpu.memref_slice %arg13[%add3A_53, %dma_wait3A_61] : memref<40960x24xf32, #tpu.memory_space<vmem_shared>> -> memref<128x24xf32, #tpu.memory_space<vmem_shared>>
        tpu.wait_dma2 semaphore(%run_scoped3A_55 : memref<!tpu.dma_semaphore, #tpu.memory_space<semaphore_mem>>) src(%arg11 : memref<128x24xf32, #tpu.memory_space<vmem>>) dst(%dma_wait3A_62 : memref<128x24xf32, #tpu.memory_space<vmem_shared>>)
        tpu.yield
      }) : () -> ()
      %run_scoped3A = arith.constant 0 : i32
      "tpu.region"() ({
        %run_scoped3A_55 = tpu.sem_alloc : memref<!tpu.dma_semaphore, #tpu.memory_space<semaphore_mem>>
        %dma_start3A_56 = arith.constant 0 : i32
        %dma_start3A_57 = tpu.memref_slice %arg10[%run_scoped3A, %dma_start3A_56] : memref<80x128xf32, #tpu.memory_space<vmem>> -> memref<1x128xf32, #tpu.memory_space<vmem>>
        %dma_start3A_58 = tpu.memref_squeeze %dma_start3A_57 : memref<1x128xf32, #tpu.memory_space<vmem>> -> memref<128xf32, #tpu.memory_space<vmem>>
        %dma_start3A_59 = tpu.memref_slice %arg14[%add3A_53] : memref<40960xf32, #tpu.memory_space<vmem_shared>> -> memref<128xf32, #tpu.memory_space<vmem_shared>>
        %dma_start3A_60 = tpu.memref_slice %arg14[%add3A_53] : memref<40960xf32, #tpu.memory_space<vmem_shared>> -> memref<128xf32, #tpu.memory_space<vmem_shared>>
        %dma_start3A_61 = arith.constant 0 : i32
        %dma_start3A_62 = tpu.memref_slice %arg10[%run_scoped3A, %dma_start3A_61] : memref<80x128xf32, #tpu.memory_space<vmem>> -> memref<1x128xf32, #tpu.memory_space<vmem>>
        %dma_start3A_63 = tpu.memref_squeeze %dma_start3A_62 : memref<1x128xf32, #tpu.memory_space<vmem>> -> memref<128xf32, #tpu.memory_space<vmem>>
        tpu.enqueue_dma source(%dma_start3A_63 : memref<128xf32, #tpu.memory_space<vmem>>) target(%dma_start3A_60 : memref<128xf32, #tpu.memory_space<vmem_shared>>) target_semaphore(%run_scoped3A_55 : memref<!tpu.dma_semaphore, #tpu.memory_space<semaphore_mem>>)
        %dma_wait3A = arith.constant 0 : i32
        %dma_wait3A_64 = tpu.memref_slice %arg10[%run_scoped3A, %dma_wait3A] : memref<80x128xf32, #tpu.memory_space<vmem>> -> memref<1x128xf32, #tpu.memory_space<vmem>>
        %dma_wait3A_65 = tpu.memref_squeeze %dma_wait3A_64 : memref<1x128xf32, #tpu.memory_space<vmem>> -> memref<128xf32, #tpu.memory_space<vmem>>
        %dma_wait3A_66 = tpu.memref_slice %arg14[%add3A_53] : memref<40960xf32, #tpu.memory_space<vmem_shared>> -> memref<128xf32, #tpu.memory_space<vmem_shared>>
        %dma_wait3A_67 = tpu.memref_slice %arg14[%add3A_53] : memref<40960xf32, #tpu.memory_space<vmem_shared>> -> memref<128xf32, #tpu.memory_space<vmem_shared>>
        %dma_wait3A_68 = arith.constant 0 : i32
        %dma_wait3A_69 = tpu.memref_slice %arg10[%run_scoped3A, %dma_wait3A_68] : memref<80x128xf32, #tpu.memory_space<vmem>> -> memref<1x128xf32, #tpu.memory_space<vmem>>
        %dma_wait3A_70 = tpu.memref_squeeze %dma_wait3A_69 : memref<1x128xf32, #tpu.memory_space<vmem>> -> memref<128xf32, #tpu.memory_space<vmem>>
        tpu.wait_dma2 semaphore(%run_scoped3A_55 : memref<!tpu.dma_semaphore, #tpu.memory_space<semaphore_mem>>) src(%dma_wait3A_70 : memref<128xf32, #tpu.memory_space<vmem>>) dst(%dma_wait3A_67 : memref<128xf32, #tpu.memory_space<vmem_shared>>)
        tpu.yield
      }) : () -> ()
      %scan3A_54 = arith.constant 0 : i32
      scf.yield %scan3A_54 : i32
    }
    %scan3A_23 = arith.constant 20 : i32
    %barrier3A = arith.constant 0 : index
    tpu.barrier barrier_id(%barrier3A)
    "tpu.region"() ({
      %run_scoped3A = tpu.sem_alloc : memref<!tpu.dma_semaphore, #tpu.memory_space<semaphore_mem>>
      %dma_start3A_47 = arith.constant 0 : i32
      %dma_start3A_48 = arith.constant 0 : i32
      %dma_start3A_49 = tpu.memref_slice %arg5[%add3A, %dma_start3A_47, %dma_start3A_48] : memref<32x80x128xf32, #tpu.memory_space<hbm>> -> memref<1x80x128xf32, #tpu.memory_space<hbm>>
      %dma_start3A_50 = tpu.memref_squeeze %dma_start3A_49 : memref<1x80x128xf32, #tpu.memory_space<hbm>> -> memref<80x128xf32, #tpu.memory_space<hbm>>
      %dma_start3A_51 = arith.constant 0 : i32
      %dma_start3A_52 = arith.constant 0 : i32
      %dma_start3A_53 = tpu.memref_slice %arg5[%add3A, %dma_start3A_51, %dma_start3A_52] : memref<32x80x128xf32, #tpu.memory_space<hbm>> -> memref<1x80x128xf32, #tpu.memory_space<hbm>>
      %dma_start3A_54 = tpu.memref_squeeze %dma_start3A_53 : memref<1x80x128xf32, #tpu.memory_space<hbm>> -> memref<80x128xf32, #tpu.memory_space<hbm>>
      tpu.enqueue_dma source(%dma_start3A_54 : memref<80x128xf32, #tpu.memory_space<hbm>>) target(%arg10 : memref<80x128xf32, #tpu.memory_space<vmem>>) target_semaphore(%run_scoped3A : memref<!tpu.dma_semaphore, #tpu.memory_space<semaphore_mem>>)
      %dma_wait3A = arith.constant 0 : i32
      %dma_wait3A_55 = arith.constant 0 : i32
      %dma_wait3A_56 = tpu.memref_slice %arg5[%add3A, %dma_wait3A, %dma_wait3A_55] : memref<32x80x128xf32, #tpu.memory_space<hbm>> -> memref<1x80x128xf32, #tpu.memory_space<hbm>>
      %dma_wait3A_57 = tpu.memref_squeeze %dma_wait3A_56 : memref<1x80x128xf32, #tpu.memory_space<hbm>> -> memref<80x128xf32, #tpu.memory_space<hbm>>
      %dma_wait3A_58 = arith.constant 0 : i32
      %dma_wait3A_59 = arith.constant 0 : i32
      %dma_wait3A_60 = tpu.memref_slice %arg5[%add3A, %dma_wait3A_58, %dma_wait3A_59] : memref<32x80x128xf32, #tpu.memory_space<hbm>> -> memref<1x80x128xf32, #tpu.memory_space<hbm>>
      %dma_wait3A_61 = tpu.memref_squeeze %dma_wait3A_60 : memref<1x80x128xf32, #tpu.memory_space<hbm>> -> memref<80x128xf32, #tpu.memory_space<hbm>>
      tpu.wait_dma2 semaphore(%run_scoped3A : memref<!tpu.dma_semaphore, #tpu.memory_space<semaphore_mem>>) src(%dma_wait3A_61 : memref<80x128xf32, #tpu.memory_space<hbm>>) dst(%arg10 : memref<80x128xf32, #tpu.memory_space<vmem>>)
      tpu.yield
    }) : () -> ()
    %dma_start3A = arith.constant 0 : i32
    %dma_start3A_24 = arith.constant 0 : i32
    %dma_start3A_25 = tpu.memref_slice %arg8[%dma_start3A, %dma_start3A_24] : memref<80x128xi32, #tpu.memory_space<vmem>> -> memref<1x128xi32, #tpu.memory_space<vmem>>
    %dma_start3A_26 = tpu.memref_squeeze %dma_start3A_25 : memref<1x128xi32, #tpu.memory_space<vmem>> -> memref<128xi32, #tpu.memory_space<vmem>>
    %dma_start3A_27 = arith.constant 0 : i32
    %dma_start3A_28 = arith.constant 0 : i32
    %dma_start3A_29 = tpu.memref_slice %arg2[%dma_start3A_27, %dma_start3A_28] : memref<40000x24xf32, #tpu.memory_space<hbm>> -> memref<40000x24xf32, #tpu.memory_space<hbm>>
    tpu.enqueue_indirect_dma source(%dma_start3A_29 : memref<40000x24xf32, #tpu.memory_space<hbm>>) target(%arg11 : memref<128x24xf32, #tpu.memory_space<vmem>>) offsets(%dma_start3A_26 : memref<128xi32, #tpu.memory_space<vmem>>) semaphore(%arg15 : memref<!tpu.dma_semaphore, #tpu.memory_space<semaphore_mem>>)
    %scan3A_30 = arith.constant 0 : i32
    %scan3A_31 = arith.constant 0 : i32
    %scan3A_32 = arith.constant 40 : i32
    %scan3A_33 = arith.addi %scan3A_31, %scan3A_32 : i32
    %scan3A_34 = arith.constant 1 : i32
    %scan3A_35 = scf.for %scan3A_47 = %scan3A_31 to %scan3A_33 step %scan3A_34 iter_args(%scan3A_48 = %scan3A_30) -> (i32)  : i32 {
      %lt3A = arith.cmpi slt, %scan3A_47, %select_n3A : i32
      %convert_element_type3A = arith.extui %lt3A : i1 to i32
      %cond3A = arith.constant 0 : i32
      %cond3A_49 = arith.cmpi ne, %convert_element_type3A, %cond3A : i32
      scf.if %cond3A_49 {
        %mul3A_51 = arith.constant 2 : i32
        %mul3A_52 = arith.muli %mul3A_51, %scan3A_47 : i32
        %add3A_53 = arith.constant 1 : i32
        %add3A_54 = arith.addi %mul3A_52, %add3A_53 : i32
        %dma_start3A_55 = arith.constant 0 : i32
        %dma_start3A_56 = tpu.memref_slice %arg8[%add3A_54, %dma_start3A_55] : memref<80x128xi32, #tpu.memory_space<vmem>> -> memref<1x128xi32, #tpu.memory_space<vmem>>
        %dma_start3A_57 = tpu.memref_squeeze %dma_start3A_56 : memref<1x128xi32, #tpu.memory_space<vmem>> -> memref<128xi32, #tpu.memory_space<vmem>>
        %dma_start3A_58 = arith.constant 0 : i32
        %dma_start3A_59 = arith.constant 0 : i32
        %dma_start3A_60 = tpu.memref_slice %arg2[%dma_start3A_58, %dma_start3A_59] : memref<40000x24xf32, #tpu.memory_space<hbm>> -> memref<40000x24xf32, #tpu.memory_space<hbm>>
        tpu.enqueue_indirect_dma source(%dma_start3A_60 : memref<40000x24xf32, #tpu.memory_space<hbm>>) target(%arg12 : memref<128x24xf32, #tpu.memory_space<vmem>>) offsets(%dma_start3A_57 : memref<128xi32, #tpu.memory_space<vmem>>) semaphore(%arg16 : memref<!tpu.dma_semaphore, #tpu.memory_space<semaphore_mem>>)
        %dma_wait3A = arith.constant 0 : i32
        %dma_wait3A_61 = tpu.memref_slice %arg8[%mul3A_52, %dma_wait3A] : memref<80x128xi32, #tpu.memory_space<vmem>> -> memref<1x128xi32, #tpu.memory_space<vmem>>
        %dma_wait3A_62 = tpu.memref_squeeze %dma_wait3A_61 : memref<1x128xi32, #tpu.memory_space<vmem>> -> memref<128xi32, #tpu.memory_space<vmem>>
        %dma_wait3A_63 = arith.constant 0 : i32
        %dma_wait3A_64 = arith.constant 0 : i32
        %dma_wait3A_65 = tpu.memref_slice %arg2[%dma_wait3A_63, %dma_wait3A_64] : memref<40000x24xf32, #tpu.memory_space<hbm>> -> memref<40000x24xf32, #tpu.memory_space<hbm>>
        tpu.wait_indirect_dma semaphore(%arg15 : memref<!tpu.dma_semaphore, #tpu.memory_space<semaphore_mem>>) src(%dma_wait3A_65 : memref<40000x24xf32, #tpu.memory_space<hbm>>) dst(%arg11 : memref<128x24xf32, #tpu.memory_space<vmem>>)
        "tpu.region"() ({
          %run_scoped3A = tpu.sem_alloc : memref<!tpu.dma_semaphore, #tpu.memory_space<semaphore_mem>>
          %dma_start3A_85 = arith.constant 0 : i32
          %dma_start3A_86 = tpu.memref_slice %arg9[%mul3A_52, %dma_start3A_85] : memref<80x128xi32, #tpu.memory_space<vmem>> -> memref<1x128xi32, #tpu.memory_space<vmem>>
          %dma_start3A_87 = tpu.memref_squeeze %dma_start3A_86 : memref<1x128xi32, #tpu.memory_space<vmem>> -> memref<128xi32, #tpu.memory_space<vmem>>
          %dma_start3A_88 = arith.constant 0 : i32
          %dma_start3A_89 = arith.constant 0 : i32
          %dma_start3A_90 = tpu.memref_slice %arg13[%dma_start3A_88, %dma_start3A_89] : memref<40960x24xf32, #tpu.memory_space<vmem_shared>> -> memref<40960x24xf32, #tpu.memory_space<vmem_shared>>
          tpu.enqueue_indirect_dma source(%arg11 : memref<128x24xf32, #tpu.memory_space<vmem>>) target(%dma_start3A_90 : memref<40960x24xf32, #tpu.memory_space<vmem_shared>>) offsets(%dma_start3A_87 : memref<128xi32, #tpu.memory_space<vmem>>) semaphore(%run_scoped3A : memref<!tpu.dma_semaphore, #tpu.memory_space<semaphore_mem>>) {add = true}
          %dma_wait3A_91 = arith.constant 0 : i32
          %dma_wait3A_92 = tpu.memref_slice %arg9[%mul3A_52, %dma_wait3A_91] : memref<80x128xi32, #tpu.memory_space<vmem>> -> memref<1x128xi32, #tpu.memory_space<vmem>>
          %dma_wait3A_93 = tpu.memref_squeeze %dma_wait3A_92 : memref<1x128xi32, #tpu.memory_space<vmem>> -> memref<128xi32, #tpu.memory_space<vmem>>
          %dma_wait3A_94 = arith.constant 0 : i32
          %dma_wait3A_95 = arith.constant 0 : i32
          %dma_wait3A_96 = tpu.memref_slice %arg13[%dma_wait3A_94, %dma_wait3A_95] : memref<40960x24xf32, #tpu.memory_space<vmem_shared>> -> memref<40960x24xf32, #tpu.memory_space<vmem_shared>>
          tpu.wait_indirect_dma semaphore(%run_scoped3A : memref<!tpu.dma_semaphore, #tpu.memory_space<semaphore_mem>>) src(%arg11 : memref<128x24xf32, #tpu.memory_space<vmem>>) dst(%dma_wait3A_96 : memref<40960x24xf32, #tpu.memory_space<vmem_shared>>)
          tpu.yield
        }) : () -> ()
        "tpu.region"() ({
          %run_scoped3A = tpu.sem_alloc : memref<!tpu.dma_semaphore, #tpu.memory_space<semaphore_mem>>
          %dma_start3A_85 = arith.constant 0 : i32
          %dma_start3A_86 = tpu.memref_slice %arg10[%mul3A_52, %dma_start3A_85] : memref<80x128xf32, #tpu.memory_space<vmem>> -> memref<1x128xf32, #tpu.memory_space<vmem>>
          %dma_start3A_87 = tpu.memref_squeeze %dma_start3A_86 : memref<1x128xf32, #tpu.memory_space<vmem>> -> memref<128xf32, #tpu.memory_space<vmem>>
          %dma_start3A_88 = arith.constant 0 : i32
          %dma_start3A_89 = tpu.memref_slice %arg9[%mul3A_52, %dma_start3A_88] : memref<80x128xi32, #tpu.memory_space<vmem>> -> memref<1x128xi32, #tpu.memory_space<vmem>>
          %dma_start3A_90 = tpu.memref_squeeze %dma_start3A_89 : memref<1x128xi32, #tpu.memory_space<vmem>> -> memref<128xi32, #tpu.memory_space<vmem>>
          %dma_start3A_91 = arith.constant 0 : i32
          %dma_start3A_92 = tpu.memref_slice %arg14[%dma_start3A_91] : memref<40960xf32, #tpu.memory_space<vmem_shared>> -> memref<40960xf32, #tpu.memory_space<vmem_shared>>
          tpu.enqueue_indirect_dma source(%dma_start3A_87 : memref<128xf32, #tpu.memory_space<vmem>>) target(%dma_start3A_92 : memref<40960xf32, #tpu.memory_space<vmem_shared>>) offsets(%dma_start3A_90 : memref<128xi32, #tpu.memory_space<vmem>>) semaphore(%run_scoped3A : memref<!tpu.dma_semaphore, #tpu.memory_space<semaphore_mem>>) {add = true}
          %dma_wait3A_93 = arith.constant 0 : i32
          %dma_wait3A_94 = tpu.memref_slice %arg10[%mul3A_52, %dma_wait3A_93] : memref<80x128xf32, #tpu.memory_space<vmem>> -> memref<1x128xf32, #tpu.memory_space<vmem>>
          %dma_wait3A_95 = tpu.memref_squeeze %dma_wait3A_94 : memref<1x128xf32, #tpu.memory_space<vmem>> -> memref<128xf32, #tpu.memory_space<vmem>>
          %dma_wait3A_96 = arith.constant 0 : i32
          %dma_wait3A_97 = tpu.memref_slice %arg9[%mul3A_52, %dma_wait3A_96] : memref<80x128xi32, #tpu.memory_space<vmem>> -> memref<1x128xi32, #tpu.memory_space<vmem>>
          %dma_wait3A_98 = tpu.memref_squeeze %dma_wait3A_97 : memref<1x128xi32, #tpu.memory_space<vmem>> -> memref<128xi32, #tpu.memory_space<vmem>>
          %dma_wait3A_99 = arith.constant 0 : i32
          %dma_wait3A_100 = tpu.memref_slice %arg14[%dma_wait3A_99] : memref<40960xf32, #tpu.memory_space<vmem_shared>> -> memref<40960xf32, #tpu.memory_space<vmem_shared>>
          tpu.wait_indirect_dma semaphore(%run_scoped3A : memref<!tpu.dma_semaphore, #tpu.memory_space<semaphore_mem>>) src(%dma_wait3A_95 : memref<128xf32, #tpu.memory_space<vmem>>) dst(%dma_wait3A_100 : memref<40960xf32, #tpu.memory_space<vmem_shared>>)
          tpu.yield
        }) : () -> ()
        %sub3A = arith.constant 1 : i32
        %sub3A_66 = arith.subi %select_n3A, %sub3A : i32
        %lt3A_67 = arith.cmpi slt, %scan3A_47, %sub3A_66 : i32
        %convert_element_type3A_68 = arith.extui %lt3A_67 : i1 to i32
        %cond3A_69 = arith.constant 0 : i32
        %cond3A_70 = arith.cmpi ne, %convert_element_type3A_68, %cond3A_69 : i32
        scf.if %cond3A_70 {
          %add3A_85 = arith.constant 2 : i32
          %add3A_86 = arith.addi %mul3A_52, %add3A_85 : i32
          %dma_start3A_87 = arith.constant 0 : i32
          %dma_start3A_88 = tpu.memref_slice %arg8[%add3A_86, %dma_start3A_87] : memref<80x128xi32, #tpu.memory_space<vmem>> -> memref<1x128xi32, #tpu.memory_space<vmem>>
          %dma_start3A_89 = tpu.memref_squeeze %dma_start3A_88 : memref<1x128xi32, #tpu.memory_space<vmem>> -> memref<128xi32, #tpu.memory_space<vmem>>
          %dma_start3A_90 = arith.constant 0 : i32
          %dma_start3A_91 = arith.constant 0 : i32
          %dma_start3A_92 = tpu.memref_slice %arg2[%dma_start3A_90, %dma_start3A_91] : memref<40000x24xf32, #tpu.memory_space<hbm>> -> memref<40000x24xf32, #tpu.memory_space<hbm>>
          tpu.enqueue_indirect_dma source(%dma_start3A_92 : memref<40000x24xf32, #tpu.memory_space<hbm>>) target(%arg11 : memref<128x24xf32, #tpu.memory_space<vmem>>) offsets(%dma_start3A_89 : memref<128xi32, #tpu.memory_space<vmem>>) semaphore(%arg15 : memref<!tpu.dma_semaphore, #tpu.memory_space<semaphore_mem>>)
        } else {
        }
        %add3A_71 = arith.constant 1 : i32
        %add3A_72 = arith.addi %mul3A_52, %add3A_71 : i32
        %dma_wait3A_73 = arith.constant 0 : i32
        %dma_wait3A_74 = tpu.memref_slice %arg8[%add3A_72, %dma_wait3A_73] : memref<80x128xi32, #tpu.memory_space<vmem>> -> memref<1x128xi32, #tpu.memory_space<vmem>>
        %dma_wait3A_75 = tpu.memref_squeeze %dma_wait3A_74 : memref<1x128xi32, #tpu.memory_space<vmem>> -> memref<128xi32, #tpu.memory_space<vmem>>
        %dma_wait3A_76 = arith.constant 0 : i32
        %dma_wait3A_77 = arith.constant 0 : i32
        %dma_wait3A_78 = tpu.memref_slice %arg2[%dma_wait3A_76, %dma_wait3A_77] : memref<40000x24xf32, #tpu.memory_space<hbm>> -> memref<40000x24xf32, #tpu.memory_space<hbm>>
        tpu.wait_indirect_dma semaphore(%arg16 : memref<!tpu.dma_semaphore, #tpu.memory_space<semaphore_mem>>) src(%dma_wait3A_78 : memref<40000x24xf32, #tpu.memory_space<hbm>>) dst(%arg12 : memref<128x24xf32, #tpu.memory_space<vmem>>)
        %add3A_79 = arith.constant 1 : i32
        %add3A_80 = arith.addi %mul3A_52, %add3A_79 : i32
        "tpu.region"() ({
          %run_scoped3A = tpu.sem_alloc : memref<!tpu.dma_semaphore, #tpu.memory_space<semaphore_mem>>
          %dma_start3A_85 = arith.constant 0 : i32
          %dma_start3A_86 = tpu.memref_slice %arg9[%add3A_80, %dma_start3A_85] : memref<80x128xi32, #tpu.memory_space<vmem>> -> memref<1x128xi32, #tpu.memory_space<vmem>>
          %dma_start3A_87 = tpu.memref_squeeze %dma_start3A_86 : memref<1x128xi32, #tpu.memory_space<vmem>> -> memref<128xi32, #tpu.memory_space<vmem>>
          %dma_start3A_88 = arith.constant 0 : i32
          %dma_start3A_89 = arith.constant 0 : i32
          %dma_start3A_90 = tpu.memref_slice %arg13[%dma_start3A_88, %dma_start3A_89] : memref<40960x24xf32, #tpu.memory_space<vmem_shared>> -> memref<40960x24xf32, #tpu.memory_space<vmem_shared>>
          tpu.enqueue_indirect_dma source(%arg12 : memref<128x24xf32, #tpu.memory_space<vmem>>) target(%dma_start3A_90 : memref<40960x24xf32, #tpu.memory_space<vmem_shared>>) offsets(%dma_start3A_87 : memref<128xi32, #tpu.memory_space<vmem>>) semaphore(%run_scoped3A : memref<!tpu.dma_semaphore, #tpu.memory_space<semaphore_mem>>) {add = true}
          %dma_wait3A_91 = arith.constant 0 : i32
          %dma_wait3A_92 = tpu.memref_slice %arg9[%add3A_80, %dma_wait3A_91] : memref<80x128xi32, #tpu.memory_space<vmem>> -> memref<1x128xi32, #tpu.memory_space<vmem>>
          %dma_wait3A_93 = tpu.memref_squeeze %dma_wait3A_92 : memref<1x128xi32, #tpu.memory_space<vmem>> -> memref<128xi32, #tpu.memory_space<vmem>>
          %dma_wait3A_94 = arith.constant 0 : i32
          %dma_wait3A_95 = arith.constant 0 : i32
          %dma_wait3A_96 = tpu.memref_slice %arg13[%dma_wait3A_94, %dma_wait3A_95] : memref<40960x24xf32, #tpu.memory_space<vmem_shared>> -> memref<40960x24xf32, #tpu.memory_space<vmem_shared>>
          tpu.wait_indirect_dma semaphore(%run_scoped3A : memref<!tpu.dma_semaphore, #tpu.memory_space<semaphore_mem>>) src(%arg12 : memref<128x24xf32, #tpu.memory_space<vmem>>) dst(%dma_wait3A_96 : memref<40960x24xf32, #tpu.memory_space<vmem_shared>>)
          tpu.yield
        }) : () -> ()
        %add3A_81 = arith.constant 1 : i32
        %add3A_82 = arith.addi %mul3A_52, %add3A_81 : i32
        %add3A_83 = arith.constant 1 : i32
        %add3A_84 = arith.addi %mul3A_52, %add3A_83 : i32
        "tpu.region"() ({
          %run_scoped3A = tpu.sem_alloc : memref<!tpu.dma_semaphore, #tpu.memory_space<semaphore_mem>>
          %dma_start3A_85 = arith.constant 0 : i32
          %dma_start3A_86 = tpu.memref_slice %arg10[%add3A_82, %dma_start3A_85] : memref<80x128xf32, #tpu.memory_space<vmem>> -> memref<1x128xf32, #tpu.memory_space<vmem>>
          %dma_start3A_87 = tpu.memref_squeeze %dma_start3A_86 : memref<1x128xf32, #tpu.memory_space<vmem>> -> memref<128xf32, #tpu.memory_space<vmem>>
          %dma_start3A_88 = arith.constant 0 : i32
          %dma_start3A_89 = tpu.memref_slice %arg9[%add3A_84, %dma_start3A_88] : memref<80x128xi32, #tpu.memory_space<vmem>> -> memref<1x128xi32, #tpu.memory_space<vmem>>
          %dma_start3A_90 = tpu.memref_squeeze %dma_start3A_89 : memref<1x128xi32, #tpu.memory_space<vmem>> -> memref<128xi32, #tpu.memory_space<vmem>>
          %dma_start3A_91 = arith.constant 0 : i32
          %dma_start3A_92 = tpu.memref_slice %arg14[%dma_start3A_91] : memref<40960xf32, #tpu.memory_space<vmem_shared>> -> memref<40960xf32, #tpu.memory_space<vmem_shared>>
          tpu.enqueue_indirect_dma source(%dma_start3A_87 : memref<128xf32, #tpu.memory_space<vmem>>) target(%dma_start3A_92 : memref<40960xf32, #tpu.memory_space<vmem_shared>>) offsets(%dma_start3A_90 : memref<128xi32, #tpu.memory_space<vmem>>) semaphore(%run_scoped3A : memref<!tpu.dma_semaphore, #tpu.memory_space<semaphore_mem>>) {add = true}
          %dma_wait3A_93 = arith.constant 0 : i32
          %dma_wait3A_94 = tpu.memref_slice %arg10[%add3A_82, %dma_wait3A_93] : memref<80x128xf32, #tpu.memory_space<vmem>> -> memref<1x128xf32, #tpu.memory_space<vmem>>
          %dma_wait3A_95 = tpu.memref_squeeze %dma_wait3A_94 : memref<1x128xf32, #tpu.memory_space<vmem>> -> memref<128xf32, #tpu.memory_space<vmem>>
          %dma_wait3A_96 = arith.constant 0 : i32
          %dma_wait3A_97 = tpu.memref_slice %arg9[%add3A_84, %dma_wait3A_96] : memref<80x128xi32, #tpu.memory_space<vmem>> -> memref<1x128xi32, #tpu.memory_space<vmem>>
          %dma_wait3A_98 = tpu.memref_squeeze %dma_wait3A_97 : memref<1x128xi32, #tpu.memory_space<vmem>> -> memref<128xi32, #tpu.memory_space<vmem>>
          %dma_wait3A_99 = arith.constant 0 : i32
          %dma_wait3A_100 = tpu.memref_slice %arg14[%dma_wait3A_99] : memref<40960xf32, #tpu.memory_space<vmem_shared>> -> memref<40960xf32, #tpu.memory_space<vmem_shared>>
          tpu.wait_indirect_dma semaphore(%run_scoped3A : memref<!tpu.dma_semaphore, #tpu.memory_space<semaphore_mem>>) src(%dma_wait3A_95 : memref<128xf32, #tpu.memory_space<vmem>>) dst(%dma_wait3A_100 : memref<40960xf32, #tpu.memory_space<vmem_shared>>)
          tpu.yield
        }) : () -> ()
      } else {
      }
      %scan3A_50 = arith.constant 0 : i32
      scf.yield %scan3A_50 : i32
    }
    %scan3A_36 = arith.constant 40 : i32
    %barrier3A_37 = arith.constant 0 : index
    tpu.barrier barrier_id(%barrier3A_37)
    %scan3A_38 = arith.constant 0 : i32
    %scan3A_39 = arith.constant 0 : i32
    %scan3A_40 = arith.constant 20 : i32
    %scan3A_41 = arith.addi %scan3A_39, %scan3A_40 : i32
    %scan3A_42 = arith.constant 1 : i32
    %scan3A_43 = scf.for %scan3A_47 = %scan3A_39 to %scan3A_41 step %scan3A_42 iter_args(%scan3A_48 = %scan3A_38) -> (i32)  : i32 {
      %mul3A_49 = arith.constant 2560 : i32
      %mul3A_50 = arith.muli %arg1, %mul3A_49 : i32
      %mul3A_51 = arith.constant 128 : i32
      %mul3A_52 = arith.muli %scan3A_47, %mul3A_51 : i32
      %add3A_53 = arith.addi %mul3A_50, %mul3A_52 : i32
      "tpu.region"() ({
        %run_scoped3A = tpu.sem_alloc : memref<!tpu.dma_semaphore, #tpu.memory_space<semaphore_mem>>
        %dma_start3A_55 = arith.constant 0 : i32
        %dma_start3A_56 = tpu.memref_slice %arg6[%arg0, %add3A_53, %dma_start3A_55] : memref<2x40960x24xf32, #tpu.memory_space<hbm>> -> memref<1x128x24xf32, #tpu.memory_space<hbm>>
        %dma_start3A_57 = tpu.memref_squeeze %dma_start3A_56 : memref<1x128x24xf32, #tpu.memory_space<hbm>> -> memref<128x24xf32, #tpu.memory_space<hbm>>
        %dma_start3A_58 = arith.constant 0 : i32
        %dma_start3A_59 = tpu.memref_slice %arg13[%add3A_53, %dma_start3A_58] : memref<40960x24xf32, #tpu.memory_space<vmem_shared>> -> memref<128x24xf32, #tpu.memory_space<vmem_shared>>
        tpu.enqueue_dma source(%dma_start3A_59 : memref<128x24xf32, #tpu.memory_space<vmem_shared>>) target(%dma_start3A_57 : memref<128x24xf32, #tpu.memory_space<hbm>>) target_semaphore(%run_scoped3A : memref<!tpu.dma_semaphore, #tpu.memory_space<semaphore_mem>>)
        %dma_wait3A = arith.constant 0 : i32
        %dma_wait3A_60 = tpu.memref_slice %arg6[%arg0, %add3A_53, %dma_wait3A] : memref<2x40960x24xf32, #tpu.memory_space<hbm>> -> memref<1x128x24xf32, #tpu.memory_space<hbm>>
        %dma_wait3A_61 = tpu.memref_squeeze %dma_wait3A_60 : memref<1x128x24xf32, #tpu.memory_space<hbm>> -> memref<128x24xf32, #tpu.memory_space<hbm>>
        %dma_wait3A_62 = arith.constant 0 : i32
        %dma_wait3A_63 = tpu.memref_slice %arg13[%add3A_53, %dma_wait3A_62] : memref<40960x24xf32, #tpu.memory_space<vmem_shared>> -> memref<128x24xf32, #tpu.memory_space<vmem_shared>>
        tpu.wait_dma2 semaphore(%run_scoped3A : memref<!tpu.dma_semaphore, #tpu.memory_space<semaphore_mem>>) src(%dma_wait3A_63 : memref<128x24xf32, #tpu.memory_space<vmem_shared>>) dst(%dma_wait3A_61 : memref<128x24xf32, #tpu.memory_space<hbm>>)
        tpu.yield
      }) : () -> ()
      %scan3A_54 = arith.constant 0 : i32
      scf.yield %scan3A_54 : i32
    }
    %scan3A_44 = arith.constant 20 : i32
    %mul3A_45 = arith.constant 2560 : i32
    %mul3A_46 = arith.muli %arg1, %mul3A_45 : i32
    "tpu.region"() ({
      %run_scoped3A = tpu.sem_alloc : memref<!tpu.dma_semaphore, #tpu.memory_space<semaphore_mem>>
      %dma_start3A_47 = tpu.memref_slice %arg7[%arg0, %mul3A_46] : memref<2x40960xf32, #tpu.memory_space<hbm>> -> memref<1x2560xf32, #tpu.memory_space<hbm>>
      %dma_start3A_48 = tpu.memref_squeeze %dma_start3A_47 : memref<1x2560xf32, #tpu.memory_space<hbm>> -> memref<2560xf32, #tpu.memory_space<hbm>>
      %dma_start3A_49 = tpu.memref_slice %arg14[%mul3A_46] : memref<40960xf32, #tpu.memory_space<vmem_shared>> -> memref<2560xf32, #tpu.memory_space<vmem_shared>>
      tpu.enqueue_dma source(%dma_start3A_49 : memref<2560xf32, #tpu.memory_space<vmem_shared>>) target(%dma_start3A_48 : memref<2560xf32, #tpu.memory_space<hbm>>) target_semaphore(%run_scoped3A : memref<!tpu.dma_semaphore, #tpu.memory_space<semaphore_mem>>)
      %dma_wait3A = tpu.memref_slice %arg7[%arg0, %mul3A_46] : memref<2x40960xf32, #tpu.memory_space<hbm>> -> memref<1x2560xf32, #tpu.memory_space<hbm>>
      %dma_wait3A_50 = tpu.memref_squeeze %dma_wait3A : memref<1x2560xf32, #tpu.memory_space<hbm>> -> memref<2560xf32, #tpu.memory_space<hbm>>
      %dma_wait3A_51 = tpu.memref_slice %arg14[%mul3A_46] : memref<40960xf32, #tpu.memory_space<vmem_shared>> -> memref<2560xf32, #tpu.memory_space<vmem_shared>>
      tpu.wait_dma2 semaphore(%run_scoped3A : memref<!tpu.dma_semaphore, #tpu.memory_space<semaphore_mem>>) src(%dma_wait3A_51 : memref<2560xf32, #tpu.memory_space<vmem_shared>>) dst(%dma_wait3A_50 : memref<2560xf32, #tpu.memory_space<hbm>>)
      tpu.yield
    }) : () -> ()
    return
  }
}

#map = affine_map<(d0, d1) -> (0, 0)>
#map1 = affine_map<(d0, d1) -> (0, 0, 0)>
module attributes {stable_mosaic.version = 14 : i64} {
  func.func @k(%arg0: i32, %arg1: i32, %arg2: memref<10000x128xf32, #tpu.memory_space<hbm>>, %arg3: memref<32x120x128xi32, #tpu.memory_space<hbm>>, %arg4: memref<32x120x128xi32, #tpu.memory_space<hbm>>, %arg5: memref<2x10240x128xf32, #tpu.memory_space<hbm>>, %arg6: memref<30x128xi32, #tpu.memory_space<vmem>>, %arg7: memref<30x128xi32, #tpu.memory_space<vmem>>, %arg8: memref<128x128xf32, #tpu.memory_space<vmem>>, %arg9: memref<128x128xf32, #tpu.memory_space<vmem>>, %arg10: memref<10240x128xf32, #tpu.memory_space<vmem_shared>>, %arg11: memref<!tpu.dma_semaphore, #tpu.memory_space<semaphore_mem>>, %arg12: memref<!tpu.dma_semaphore, #tpu.memory_space<semaphore_mem>>) attributes {dimension_semantics = [#tpu.dimension_semantics<core_parallel>, #tpu.dimension_semantics<subcore_parallel>], iteration_bounds = array<i64: 2, 16>, scalar_prefetch = 0 : i64, scratch_operands = 7 : i64, tpu.core_type = #tpu.core_type<sc_vector_subcore>, window_params = [{transform_indices = #map}, {transform_indices = #map1}, {transform_indices = #map1}, {transform_indices = #map1}]} {
    %mul3A = arith.constant 16 : i32
    %mul3A_0 = arith.muli %arg0, %mul3A : i32
    %add3A = arith.addi %mul3A_0, %arg1 : i32
    %eq3A = arith.constant 0 : i32
    %eq3A_1 = arith.cmpi eq, %arg0, %eq3A : i32
    %jit3A = arith.constant 118 : i32
    %jit3A_2 = arith.constant 40 : i32
    %select_n3A = arith.select %eq3A_1, %jit3A, %jit3A_2 : i32
    %jit3A_3 = arith.constant 2 : i32
    %div3A = arith.divsi %select_n3A, %jit3A_3 : i32
    %sign3A = arith.constant 0 : i32
    %sign3A_4 = arith.cmpi sgt, %select_n3A, %sign3A : i32
    %sign3A_5 = arith.extui %sign3A_4 : i1 to i32
    %sign3A_6 = arith.constant 0 : i32
    %sign3A_7 = arith.cmpi slt, %select_n3A, %sign3A_6 : i32
    %sign3A_8 = arith.extui %sign3A_7 : i1 to i32
    %sign3A_9 = arith.subi %sign3A_5, %sign3A_8 : i32
    %sign3A_10 = arith.constant 0 : i32
    %sign3A_11 = arith.cmpi sgt, %jit3A_3, %sign3A_10 : i32
    %sign3A_12 = arith.extui %sign3A_11 : i1 to i32
    %sign3A_13 = arith.constant 0 : i32
    %sign3A_14 = arith.cmpi slt, %jit3A_3, %sign3A_13 : i32
    %sign3A_15 = arith.extui %sign3A_14 : i1 to i32
    %sign3A_16 = arith.subi %sign3A_12, %sign3A_15 : i32
    %ne3A = arith.cmpi ne, %sign3A_9, %sign3A_16 : i32
    %rem3A = arith.remsi %select_n3A, %jit3A_3 : i32
    %ne3A_17 = arith.constant 0 : i32
    %ne3A_18 = arith.cmpi ne, %rem3A, %ne3A_17 : i32
    %and3A = arith.andi %ne3A, %ne3A_18 : i1
    %sub3A = arith.constant 1 : i32
    %sub3A_19 = arith.subi %div3A, %sub3A : i32
    %select_n3A_20 = arith.select %and3A, %sub3A_19, %div3A : i32
    %broadcast_in_dim3A = arith.constant 0.000000e+00 : f32
    %broadcast_in_dim3A_21 = vector.broadcast %broadcast_in_dim3A : f32 to vector<16xf32>
    %scan3A = arith.constant 0 : i32
    %scan3A_22 = arith.constant 0 : i32
    %scan3A_23 = arith.constant 128 : i32
    %scan3A_24 = arith.addi %scan3A_22, %scan3A_23 : i32
    %scan3A_25 = arith.constant 1 : i32
    %scan3A_26 = scf.for %scan3A_50 = %scan3A_22 to %scan3A_24 step %scan3A_25 iter_args(%scan3A_51 = %scan3A) -> (i32)  : i32 {
      %scan3A_52 = arith.constant 0 : i32
      %scan3A_53 = arith.constant 0 : i32
      %scan3A_54 = arith.constant 8 : i32
      %scan3A_55 = arith.addi %scan3A_53, %scan3A_54 : i32
      %scan3A_56 = arith.constant 1 : i32
      %scan3A_57 = scf.for %scan3A_60 = %scan3A_53 to %scan3A_55 step %scan3A_56 iter_args(%scan3A_61 = %scan3A_52) -> (i32)  : i32 {
        %mul3A_62 = arith.constant 16 : i32
        %mul3A_63 = arith.muli %scan3A_60, %mul3A_62 : i32
        %swap3A = arith.index_cast %scan3A_50 : i32 to index
        %swap3A_64 = arith.index_cast %mul3A_63 : i32 to index
        %swap3A_65 = tpu.vector_load %arg8[%swap3A, %swap3A_64] {strides = array<i32>} : memref<128x128xf32, #tpu.memory_space<vmem>>, vector<1x16xf32>,
        %swap3A_66 = vector.shape_cast %swap3A_65 : vector<1x16xf32> to vector<16xf32>
        %swap3A_67 = vector.shape_cast %broadcast_in_dim3A_21 : vector<16xf32> to vector<1x16xf32>
        tpu.vector_store %arg8[%swap3A, %swap3A_64], %swap3A_67 {strides = array<i32>} : memref<128x128xf32, #tpu.memory_space<vmem>>, vector<1x16xf32>,
        %scan3A_68 = arith.constant 0 : i32
        scf.yield %scan3A_68 : i32
      }
      %scan3A_58 = arith.constant 8 : i32
      %scan3A_59 = arith.constant 0 : i32
      scf.yield %scan3A_59 : i32
    }
    %scan3A_27 = arith.constant 128 : i32
    %scan3A_28 = arith.constant 0 : i32
    %scan3A_29 = arith.constant 0 : i32
    %scan3A_30 = arith.constant 5 : i32
    %scan3A_31 = arith.addi %scan3A_29, %scan3A_30 : i32
    %scan3A_32 = arith.constant 1 : i32
    %scan3A_33 = scf.for %scan3A_50 = %scan3A_29 to %scan3A_31 step %scan3A_32 iter_args(%scan3A_51 = %scan3A_28) -> (i32)  : i32 {
      %mul3A_52 = arith.constant 640 : i32
      %mul3A_53 = arith.muli %arg1, %mul3A_52 : i32
      %mul3A_54 = arith.constant 128 : i32
      %mul3A_55 = arith.muli %scan3A_50, %mul3A_54 : i32
      %add3A_56 = arith.addi %mul3A_53, %mul3A_55 : i32
      "tpu.region"() ({
        %run_scoped3A = tpu.sem_alloc : memref<!tpu.dma_semaphore, #tpu.memory_space<semaphore_mem>>
        %dma_start3A = arith.constant 0 : i32
        %dma_start3A_58 = arith.constant 0 : i32
        %dma_start3A_59 = tpu.memref_slice %arg8[%dma_start3A, %dma_start3A_58] : memref<128x128xf32, #tpu.memory_space<vmem>> -> memref<128x128xf32, #tpu.memory_space<vmem>>
        %dma_start3A_60 = arith.constant 0 : i32
        %dma_start3A_61 = tpu.memref_slice %arg10[%add3A_56, %dma_start3A_60] : memref<10240x128xf32, #tpu.memory_space<vmem_shared>> -> memref<128x128xf32, #tpu.memory_space<vmem_shared>>
        %dma_start3A_62 = arith.constant 0 : i32
        %dma_start3A_63 = tpu.memref_slice %arg10[%add3A_56, %dma_start3A_62] : memref<10240x128xf32, #tpu.memory_space<vmem_shared>> -> memref<128x128xf32, #tpu.memory_space<vmem_shared>>
        %dma_start3A_64 = arith.constant 0 : i32
        %dma_start3A_65 = arith.constant 0 : i32
        %dma_start3A_66 = tpu.memref_slice %arg8[%dma_start3A_64, %dma_start3A_65] : memref<128x128xf32, #tpu.memory_space<vmem>> -> memref<128x128xf32, #tpu.memory_space<vmem>>
        tpu.enqueue_dma source(%dma_start3A_66 : memref<128x128xf32, #tpu.memory_space<vmem>>) target(%dma_start3A_63 : memref<128x128xf32, #tpu.memory_space<vmem_shared>>) target_semaphore(%run_scoped3A : memref<!tpu.dma_semaphore, #tpu.memory_space<semaphore_mem>>)
        %dma_wait3A = arith.constant 0 : i32
        %dma_wait3A_67 = arith.constant 0 : i32
        %dma_wait3A_68 = tpu.memref_slice %arg8[%dma_wait3A, %dma_wait3A_67] : memref<128x128xf32, #tpu.memory_space<vmem>> -> memref<128x128xf32, #tpu.memory_space<vmem>>
        %dma_wait3A_69 = arith.constant 0 : i32
        %dma_wait3A_70 = tpu.memref_slice %arg10[%add3A_56, %dma_wait3A_69] : memref<10240x128xf32, #tpu.memory_space<vmem_shared>> -> memref<128x128xf32, #tpu.memory_space<vmem_shared>>
        %dma_wait3A_71 = arith.constant 0 : i32
        %dma_wait3A_72 = tpu.memref_slice %arg10[%add3A_56, %dma_wait3A_71] : memref<10240x128xf32, #tpu.memory_space<vmem_shared>> -> memref<128x128xf32, #tpu.memory_space<vmem_shared>>
        %dma_wait3A_73 = arith.constant 0 : i32
        %dma_wait3A_74 = arith.constant 0 : i32
        %dma_wait3A_75 = tpu.memref_slice %arg8[%dma_wait3A_73, %dma_wait3A_74] : memref<128x128xf32, #tpu.memory_space<vmem>> -> memref<128x128xf32, #tpu.memory_space<vmem>>
        tpu.wait_dma2 semaphore(%run_scoped3A : memref<!tpu.dma_semaphore, #tpu.memory_space<semaphore_mem>>) src(%dma_wait3A_75 : memref<128x128xf32, #tpu.memory_space<vmem>>) dst(%dma_wait3A_72 : memref<128x128xf32, #tpu.memory_space<vmem_shared>>)
        tpu.yield
      }) : () -> ()
      %scan3A_57 = arith.constant 0 : i32
      scf.yield %scan3A_57 : i32
    }
    %scan3A_34 = arith.constant 5 : i32
    %barrier3A = arith.constant 0 : index
    tpu.barrier barrier_id(%barrier3A)
    %scan3A_35 = arith.constant 0 : i32
    %scan3A_36 = arith.constant 0 : i32
    %scan3A_37 = arith.constant 4 : i32
    %scan3A_38 = arith.addi %scan3A_36, %scan3A_37 : i32
    %scan3A_39 = arith.constant 1 : i32
    %scan3A_40 = scf.for %scan3A_50 = %scan3A_36 to %scan3A_38 step %scan3A_39 iter_args(%scan3A_51 = %scan3A_35) -> (i32)  : i32 {
      %mul3A_52 = arith.constant 30 : i32
      %mul3A_53 = arith.muli %scan3A_50, %mul3A_52 : i32
      %lt3A = arith.cmpi slt, %mul3A_53, %select_n3A : i32
      %convert_element_type3A = arith.extui %lt3A : i1 to i32
      %cond3A = arith.constant 0 : i32
      %cond3A_54 = arith.cmpi ne, %convert_element_type3A, %cond3A : i32
      scf.if %cond3A_54 {
        %mul3A_56 = arith.constant 30 : i32
        %mul3A_57 = arith.muli %scan3A_50, %mul3A_56 : i32
        "tpu.region"() ({
          %run_scoped3A = tpu.sem_alloc : memref<!tpu.dma_semaphore, #tpu.memory_space<semaphore_mem>>
          %dma_start3A_73 = arith.constant 0 : i32
          %dma_start3A_74 = tpu.memref_slice %arg3[%add3A, %mul3A_57, %dma_start3A_73] : memref<32x120x128xi32, #tpu.memory_space<hbm>> -> memref<1x30x128xi32, #tpu.memory_space<hbm>>
          %dma_start3A_75 = tpu.memref_squeeze %dma_start3A_74 : memref<1x30x128xi32, #tpu.memory_space<hbm>> -> memref<30x128xi32, #tpu.memory_space<hbm>>
          %dma_start3A_76 = arith.constant 0 : i32
          %dma_start3A_77 = tpu.memref_slice %arg3[%add3A, %mul3A_57, %dma_start3A_76] : memref<32x120x128xi32, #tpu.memory_space<hbm>> -> memref<1x30x128xi32, #tpu.memory_space<hbm>>
          %dma_start3A_78 = tpu.memref_squeeze %dma_start3A_77 : memref<1x30x128xi32, #tpu.memory_space<hbm>> -> memref<30x128xi32, #tpu.memory_space<hbm>>
          tpu.enqueue_dma source(%dma_start3A_78 : memref<30x128xi32, #tpu.memory_space<hbm>>) target(%arg6 : memref<30x128xi32, #tpu.memory_space<vmem>>) target_semaphore(%run_scoped3A : memref<!tpu.dma_semaphore, #tpu.memory_space<semaphore_mem>>)
          %dma_wait3A = arith.constant 0 : i32
          %dma_wait3A_79 = tpu.memref_slice %arg3[%add3A, %mul3A_57, %dma_wait3A] : memref<32x120x128xi32, #tpu.memory_space<hbm>> -> memref<1x30x128xi32, #tpu.memory_space<hbm>>
          %dma_wait3A_80 = tpu.memref_squeeze %dma_wait3A_79 : memref<1x30x128xi32, #tpu.memory_space<hbm>> -> memref<30x128xi32, #tpu.memory_space<hbm>>
          %dma_wait3A_81 = arith.constant 0 : i32
          %dma_wait3A_82 = tpu.memref_slice %arg3[%add3A, %mul3A_57, %dma_wait3A_81] : memref<32x120x128xi32, #tpu.memory_space<hbm>> -> memref<1x30x128xi32, #tpu.memory_space<hbm>>
          %dma_wait3A_83 = tpu.memref_squeeze %dma_wait3A_82 : memref<1x30x128xi32, #tpu.memory_space<hbm>> -> memref<30x128xi32, #tpu.memory_space<hbm>>
          tpu.wait_dma2 semaphore(%run_scoped3A : memref<!tpu.dma_semaphore, #tpu.memory_space<semaphore_mem>>) src(%dma_wait3A_83 : memref<30x128xi32, #tpu.memory_space<hbm>>) dst(%arg6 : memref<30x128xi32, #tpu.memory_space<vmem>>)
          tpu.yield
        }) : () -> ()
        %mul3A_58 = arith.constant 30 : i32
        %mul3A_59 = arith.muli %scan3A_50, %mul3A_58 : i32
        "tpu.region"() ({
          %run_scoped3A = tpu.sem_alloc : memref<!tpu.dma_semaphore, #tpu.memory_space<semaphore_mem>>
          %dma_start3A_73 = arith.constant 0 : i32
          %dma_start3A_74 = tpu.memref_slice %arg4[%add3A, %mul3A_59, %dma_start3A_73] : memref<32x120x128xi32, #tpu.memory_space<hbm>> -> memref<1x30x128xi32, #tpu.memory_space<hbm>>
          %dma_start3A_75 = tpu.memref_squeeze %dma_start3A_74 : memref<1x30x128xi32, #tpu.memory_space<hbm>> -> memref<30x128xi32, #tpu.memory_space<hbm>>
          %dma_start3A_76 = arith.constant 0 : i32
          %dma_start3A_77 = tpu.memref_slice %arg4[%add3A, %mul3A_59, %dma_start3A_76] : memref<32x120x128xi32, #tpu.memory_space<hbm>> -> memref<1x30x128xi32, #tpu.memory_space<hbm>>
          %dma_start3A_78 = tpu.memref_squeeze %dma_start3A_77 : memref<1x30x128xi32, #tpu.memory_space<hbm>> -> memref<30x128xi32, #tpu.memory_space<hbm>>
          tpu.enqueue_dma source(%dma_start3A_78 : memref<30x128xi32, #tpu.memory_space<hbm>>) target(%arg7 : memref<30x128xi32, #tpu.memory_space<vmem>>) target_semaphore(%run_scoped3A : memref<!tpu.dma_semaphore, #tpu.memory_space<semaphore_mem>>)
          %dma_wait3A = arith.constant 0 : i32
          %dma_wait3A_79 = tpu.memref_slice %arg4[%add3A, %mul3A_59, %dma_wait3A] : memref<32x120x128xi32, #tpu.memory_space<hbm>> -> memref<1x30x128xi32, #tpu.memory_space<hbm>>
          %dma_wait3A_80 = tpu.memref_squeeze %dma_wait3A_79 : memref<1x30x128xi32, #tpu.memory_space<hbm>> -> memref<30x128xi32, #tpu.memory_space<hbm>>
          %dma_wait3A_81 = arith.constant 0 : i32
          %dma_wait3A_82 = tpu.memref_slice %arg4[%add3A, %mul3A_59, %dma_wait3A_81] : memref<32x120x128xi32, #tpu.memory_space<hbm>> -> memref<1x30x128xi32, #tpu.memory_space<hbm>>
          %dma_wait3A_83 = tpu.memref_squeeze %dma_wait3A_82 : memref<1x30x128xi32, #tpu.memory_space<hbm>> -> memref<30x128xi32, #tpu.memory_space<hbm>>
          tpu.wait_dma2 semaphore(%run_scoped3A : memref<!tpu.dma_semaphore, #tpu.memory_space<semaphore_mem>>) src(%dma_wait3A_83 : memref<30x128xi32, #tpu.memory_space<hbm>>) dst(%arg7 : memref<30x128xi32, #tpu.memory_space<vmem>>)
          tpu.yield
        }) : () -> ()
        %dma_start3A = arith.constant 0 : i32
        %dma_start3A_60 = arith.constant 0 : i32
        %dma_start3A_61 = tpu.memref_slice %arg6[%dma_start3A, %dma_start3A_60] : memref<30x128xi32, #tpu.memory_space<vmem>> -> memref<1x128xi32, #tpu.memory_space<vmem>>
        %dma_start3A_62 = tpu.memref_squeeze %dma_start3A_61 : memref<1x128xi32, #tpu.memory_space<vmem>> -> memref<128xi32, #tpu.memory_space<vmem>>
        %dma_start3A_63 = arith.constant 0 : i32
        %dma_start3A_64 = arith.constant 0 : i32
        %dma_start3A_65 = tpu.memref_slice %arg2[%dma_start3A_63, %dma_start3A_64] : memref<10000x128xf32, #tpu.memory_space<hbm>> -> memref<10000x128xf32, #tpu.memory_space<hbm>>
        tpu.enqueue_indirect_dma source(%dma_start3A_65 : memref<10000x128xf32, #tpu.memory_space<hbm>>) target(%arg8 : memref<128x128xf32, #tpu.memory_space<vmem>>) offsets(%dma_start3A_62 : memref<128xi32, #tpu.memory_space<vmem>>) semaphore(%arg11 : memref<!tpu.dma_semaphore, #tpu.memory_space<semaphore_mem>>)
        %scan3A_66 = arith.constant 0 : i32
        %scan3A_67 = arith.constant 0 : i32
        %scan3A_68 = arith.constant 15 : i32
        %scan3A_69 = arith.addi %scan3A_67, %scan3A_68 : i32
        %scan3A_70 = arith.constant 1 : i32
        %scan3A_71 = scf.for %scan3A_73 = %scan3A_67 to %scan3A_69 step %scan3A_70 iter_args(%scan3A_74 = %scan3A_66) -> (i32)  : i32 {
          %mul3A_75 = arith.constant 15 : i32
          %mul3A_76 = arith.muli %scan3A_50, %mul3A_75 : i32
          %add3A_77 = arith.addi %mul3A_76, %scan3A_73 : i32
          %lt3A_78 = arith.cmpi slt, %add3A_77, %select_n3A_20 : i32
          %convert_element_type3A_79 = arith.extui %lt3A_78 : i1 to i32
          %cond3A_80 = arith.constant 0 : i32
          %cond3A_81 = arith.cmpi ne, %convert_element_type3A_79, %cond3A_80 : i32
          scf.if %cond3A_81 {
            %mul3A_83 = arith.constant 2 : i32
            %mul3A_84 = arith.muli %mul3A_83, %scan3A_73 : i32
            %add3A_85 = arith.constant 1 : i32
            %add3A_86 = arith.addi %mul3A_84, %add3A_85 : i32
            %dma_start3A_87 = arith.constant 0 : i32
            %dma_start3A_88 = tpu.memref_slice %arg6[%add3A_86, %dma_start3A_87] : memref<30x128xi32, #tpu.memory_space<vmem>> -> memref<1x128xi32, #tpu.memory_space<vmem>>
            %dma_start3A_89 = tpu.memref_squeeze %dma_start3A_88 : memref<1x128xi32, #tpu.memory_space<vmem>> -> memref<128xi32, #tpu.memory_space<vmem>>
            %dma_start3A_90 = arith.constant 0 : i32
            %dma_start3A_91 = arith.constant 0 : i32
            %dma_start3A_92 = tpu.memref_slice %arg2[%dma_start3A_90, %dma_start3A_91] : memref<10000x128xf32, #tpu.memory_space<hbm>> -> memref<10000x128xf32, #tpu.memory_space<hbm>>
            tpu.enqueue_indirect_dma source(%dma_start3A_92 : memref<10000x128xf32, #tpu.memory_space<hbm>>) target(%arg9 : memref<128x128xf32, #tpu.memory_space<vmem>>) offsets(%dma_start3A_89 : memref<128xi32, #tpu.memory_space<vmem>>) semaphore(%arg12 : memref<!tpu.dma_semaphore, #tpu.memory_space<semaphore_mem>>)
            %dma_wait3A = arith.constant 0 : i32
            %dma_wait3A_93 = tpu.memref_slice %arg6[%mul3A_84, %dma_wait3A] : memref<30x128xi32, #tpu.memory_space<vmem>> -> memref<1x128xi32, #tpu.memory_space<vmem>>
            %dma_wait3A_94 = tpu.memref_squeeze %dma_wait3A_93 : memref<1x128xi32, #tpu.memory_space<vmem>> -> memref<128xi32, #tpu.memory_space<vmem>>
            %dma_wait3A_95 = arith.constant 0 : i32
            %dma_wait3A_96 = arith.constant 0 : i32
            %dma_wait3A_97 = tpu.memref_slice %arg2[%dma_wait3A_95, %dma_wait3A_96] : memref<10000x128xf32, #tpu.memory_space<hbm>> -> memref<10000x128xf32, #tpu.memory_space<hbm>>
            tpu.wait_indirect_dma semaphore(%arg11 : memref<!tpu.dma_semaphore, #tpu.memory_space<semaphore_mem>>) src(%dma_wait3A_97 : memref<10000x128xf32, #tpu.memory_space<hbm>>) dst(%arg8 : memref<128x128xf32, #tpu.memory_space<vmem>>)
            "tpu.region"() ({
              %run_scoped3A = tpu.sem_alloc : memref<!tpu.dma_semaphore, #tpu.memory_space<semaphore_mem>>
              %dma_start3A_117 = arith.constant 0 : i32
              %dma_start3A_118 = tpu.memref_slice %arg7[%mul3A_84, %dma_start3A_117] : memref<30x128xi32, #tpu.memory_space<vmem>> -> memref<1x128xi32, #tpu.memory_space<vmem>>
              %dma_start3A_119 = tpu.memref_squeeze %dma_start3A_118 : memref<1x128xi32, #tpu.memory_space<vmem>> -> memref<128xi32, #tpu.memory_space<vmem>>
              %dma_start3A_120 = arith.constant 0 : i32
              %dma_start3A_121 = arith.constant 0 : i32
              %dma_start3A_122 = tpu.memref_slice %arg10[%dma_start3A_120, %dma_start3A_121] : memref<10240x128xf32, #tpu.memory_space<vmem_shared>> -> memref<10240x128xf32, #tpu.memory_space<vmem_shared>>
              tpu.enqueue_indirect_dma source(%arg8 : memref<128x128xf32, #tpu.memory_space<vmem>>) target(%dma_start3A_122 : memref<10240x128xf32, #tpu.memory_space<vmem_shared>>) offsets(%dma_start3A_119 : memref<128xi32, #tpu.memory_space<vmem>>) semaphore(%run_scoped3A : memref<!tpu.dma_semaphore, #tpu.memory_space<semaphore_mem>>) {add = true}
              %dma_wait3A_123 = arith.constant 0 : i32
              %dma_wait3A_124 = tpu.memref_slice %arg7[%mul3A_84, %dma_wait3A_123] : memref<30x128xi32, #tpu.memory_space<vmem>> -> memref<1x128xi32, #tpu.memory_space<vmem>>
              %dma_wait3A_125 = tpu.memref_squeeze %dma_wait3A_124 : memref<1x128xi32, #tpu.memory_space<vmem>> -> memref<128xi32, #tpu.memory_space<vmem>>
              %dma_wait3A_126 = arith.constant 0 : i32
              %dma_wait3A_127 = arith.constant 0 : i32
              %dma_wait3A_128 = tpu.memref_slice %arg10[%dma_wait3A_126, %dma_wait3A_127] : memref<10240x128xf32, #tpu.memory_space<vmem_shared>> -> memref<10240x128xf32, #tpu.memory_space<vmem_shared>>
              tpu.wait_indirect_dma semaphore(%run_scoped3A : memref<!tpu.dma_semaphore, #tpu.memory_space<semaphore_mem>>) src(%arg8 : memref<128x128xf32, #tpu.memory_space<vmem>>) dst(%dma_wait3A_128 : memref<10240x128xf32, #tpu.memory_space<vmem_shared>>)
              tpu.yield
            }) : () -> ()
            %lt3A_98 = arith.constant 14 : i32
            %lt3A_99 = arith.cmpi slt, %scan3A_73, %lt3A_98 : i32
            %sub3A_100 = arith.constant 1 : i32
            %sub3A_101 = arith.subi %select_n3A_20, %sub3A_100 : i32
            %lt3A_102 = arith.cmpi slt, %add3A_77, %sub3A_101 : i32
            %and3A_103 = arith.andi %lt3A_99, %lt3A_102 : i1
            %convert_element_type3A_104 = arith.extui %and3A_103 : i1 to i32
            %cond3A_105 = arith.constant 0 : i32
            %cond3A_106 = arith.cmpi ne, %convert_element_type3A_104, %cond3A_105 : i32
            scf.if %cond3A_106 {
              %add3A_117 = arith.constant 2 : i32
              %add3A_118 = arith.addi %mul3A_84, %add3A_117 : i32
              %dma_start3A_119 = arith.constant 0 : i32
              %dma_start3A_120 = tpu.memref_slice %arg6[%add3A_118, %dma_start3A_119] : memref<30x128xi32, #tpu.memory_space<vmem>> -> memref<1x128xi32, #tpu.memory_space<vmem>>
              %dma_start3A_121 = tpu.memref_squeeze %dma_start3A_120 : memref<1x128xi32, #tpu.memory_space<vmem>> -> memref<128xi32, #tpu.memory_space<vmem>>
              %dma_start3A_122 = arith.constant 0 : i32
              %dma_start3A_123 = arith.constant 0 : i32
              %dma_start3A_124 = tpu.memref_slice %arg2[%dma_start3A_122, %dma_start3A_123] : memref<10000x128xf32, #tpu.memory_space<hbm>> -> memref<10000x128xf32, #tpu.memory_space<hbm>>
              tpu.enqueue_indirect_dma source(%dma_start3A_124 : memref<10000x128xf32, #tpu.memory_space<hbm>>) target(%arg8 : memref<128x128xf32, #tpu.memory_space<vmem>>) offsets(%dma_start3A_121 : memref<128xi32, #tpu.memory_space<vmem>>) semaphore(%arg11 : memref<!tpu.dma_semaphore, #tpu.memory_space<semaphore_mem>>)
            } else {
            }
            %add3A_107 = arith.constant 1 : i32
            %add3A_108 = arith.addi %mul3A_84, %add3A_107 : i32
            %dma_wait3A_109 = arith.constant 0 : i32
            %dma_wait3A_110 = tpu.memref_slice %arg6[%add3A_108, %dma_wait3A_109] : memref<30x128xi32, #tpu.memory_space<vmem>> -> memref<1x128xi32, #tpu.memory_space<vmem>>
            %dma_wait3A_111 = tpu.memref_squeeze %dma_wait3A_110 : memref<1x128xi32, #tpu.memory_space<vmem>> -> memref<128xi32, #tpu.memory_space<vmem>>
            %dma_wait3A_112 = arith.constant 0 : i32
            %dma_wait3A_113 = arith.constant 0 : i32
            %dma_wait3A_114 = tpu.memref_slice %arg2[%dma_wait3A_112, %dma_wait3A_113] : memref<10000x128xf32, #tpu.memory_space<hbm>> -> memref<10000x128xf32, #tpu.memory_space<hbm>>
            tpu.wait_indirect_dma semaphore(%arg12 : memref<!tpu.dma_semaphore, #tpu.memory_space<semaphore_mem>>) src(%dma_wait3A_114 : memref<10000x128xf32, #tpu.memory_space<hbm>>) dst(%arg9 : memref<128x128xf32, #tpu.memory_space<vmem>>)
            %add3A_115 = arith.constant 1 : i32
            %add3A_116 = arith.addi %mul3A_84, %add3A_115 : i32
            "tpu.region"() ({
              %run_scoped3A = tpu.sem_alloc : memref<!tpu.dma_semaphore, #tpu.memory_space<semaphore_mem>>
              %dma_start3A_117 = arith.constant 0 : i32
              %dma_start3A_118 = tpu.memref_slice %arg7[%add3A_116, %dma_start3A_117] : memref<30x128xi32, #tpu.memory_space<vmem>> -> memref<1x128xi32, #tpu.memory_space<vmem>>
              %dma_start3A_119 = tpu.memref_squeeze %dma_start3A_118 : memref<1x128xi32, #tpu.memory_space<vmem>> -> memref<128xi32, #tpu.memory_space<vmem>>
              %dma_start3A_120 = arith.constant 0 : i32
              %dma_start3A_121 = arith.constant 0 : i32
              %dma_start3A_122 = tpu.memref_slice %arg10[%dma_start3A_120, %dma_start3A_121] : memref<10240x128xf32, #tpu.memory_space<vmem_shared>> -> memref<10240x128xf32, #tpu.memory_space<vmem_shared>>
              tpu.enqueue_indirect_dma source(%arg9 : memref<128x128xf32, #tpu.memory_space<vmem>>) target(%dma_start3A_122 : memref<10240x128xf32, #tpu.memory_space<vmem_shared>>) offsets(%dma_start3A_119 : memref<128xi32, #tpu.memory_space<vmem>>) semaphore(%run_scoped3A : memref<!tpu.dma_semaphore, #tpu.memory_space<semaphore_mem>>) {add = true}
              %dma_wait3A_123 = arith.constant 0 : i32
              %dma_wait3A_124 = tpu.memref_slice %arg7[%add3A_116, %dma_wait3A_123] : memref<30x128xi32, #tpu.memory_space<vmem>> -> memref<1x128xi32, #tpu.memory_space<vmem>>
              %dma_wait3A_125 = tpu.memref_squeeze %dma_wait3A_124 : memref<1x128xi32, #tpu.memory_space<vmem>> -> memref<128xi32, #tpu.memory_space<vmem>>
              %dma_wait3A_126 = arith.constant 0 : i32
              %dma_wait3A_127 = arith.constant 0 : i32
              %dma_wait3A_128 = tpu.memref_slice %arg10[%dma_wait3A_126, %dma_wait3A_127] : memref<10240x128xf32, #tpu.memory_space<vmem_shared>> -> memref<10240x128xf32, #tpu.memory_space<vmem_shared>>
              tpu.wait_indirect_dma semaphore(%run_scoped3A : memref<!tpu.dma_semaphore, #tpu.memory_space<semaphore_mem>>) src(%arg9 : memref<128x128xf32, #tpu.memory_space<vmem>>) dst(%dma_wait3A_128 : memref<10240x128xf32, #tpu.memory_space<vmem_shared>>)
              tpu.yield
            }) : () -> ()
          } else {
          }
          %scan3A_82 = arith.constant 0 : i32
          scf.yield %scan3A_82 : i32
        }
        %scan3A_72 = arith.constant 15 : i32
      } else {
      }
      %scan3A_55 = arith.constant 0 : i32
      scf.yield %scan3A_55 : i32
    }
    %scan3A_41 = arith.constant 4 : i32
    %barrier3A_42 = arith.constant 0 : index
    tpu.barrier barrier_id(%barrier3A_42)
    %scan3A_43 = arith.constant 0 : i32
    %scan3A_44 = arith.constant 0 : i32
    %scan3A_45 = arith.constant 5 : i32
    %scan3A_46 = arith.addi %scan3A_44, %scan3A_45 : i32
    %scan3A_47 = arith.constant 1 : i32
    %scan3A_48 = scf.for %scan3A_50 = %scan3A_44 to %scan3A_46 step %scan3A_47 iter_args(%scan3A_51 = %scan3A_43) -> (i32)  : i32 {
      %mul3A_52 = arith.constant 640 : i32
      %mul3A_53 = arith.muli %arg1, %mul3A_52 : i32
      %mul3A_54 = arith.constant 128 : i32
      %mul3A_55 = arith.muli %scan3A_50, %mul3A_54 : i32
      %add3A_56 = arith.addi %mul3A_53, %mul3A_55 : i32
      "tpu.region"() ({
        %run_scoped3A = tpu.sem_alloc : memref<!tpu.dma_semaphore, #tpu.memory_space<semaphore_mem>>
        %dma_start3A = arith.constant 0 : i32
        %dma_start3A_58 = tpu.memref_slice %arg5[%arg0, %add3A_56, %dma_start3A] : memref<2x10240x128xf32, #tpu.memory_space<hbm>> -> memref<1x128x128xf32, #tpu.memory_space<hbm>>
        %dma_start3A_59 = tpu.memref_squeeze %dma_start3A_58 : memref<1x128x128xf32, #tpu.memory_space<hbm>> -> memref<128x128xf32, #tpu.memory_space<hbm>>
        %dma_start3A_60 = arith.constant 0 : i32
        %dma_start3A_61 = tpu.memref_slice %arg10[%add3A_56, %dma_start3A_60] : memref<10240x128xf32, #tpu.memory_space<vmem_shared>> -> memref<128x128xf32, #tpu.memory_space<vmem_shared>>
        tpu.enqueue_dma source(%dma_start3A_61 : memref<128x128xf32, #tpu.memory_space<vmem_shared>>) target(%dma_start3A_59 : memref<128x128xf32, #tpu.memory_space<hbm>>) target_semaphore(%run_scoped3A : memref<!tpu.dma_semaphore, #tpu.memory_space<semaphore_mem>>)
        %dma_wait3A = arith.constant 0 : i32
        %dma_wait3A_62 = tpu.memref_slice %arg5[%arg0, %add3A_56, %dma_wait3A] : memref<2x10240x128xf32, #tpu.memory_space<hbm>> -> memref<1x128x128xf32, #tpu.memory_space<hbm>>
        %dma_wait3A_63 = tpu.memref_squeeze %dma_wait3A_62 : memref<1x128x128xf32, #tpu.memory_space<hbm>> -> memref<128x128xf32, #tpu.memory_space<hbm>>
        %dma_wait3A_64 = arith.constant 0 : i32
        %dma_wait3A_65 = tpu.memref_slice %arg10[%add3A_56, %dma_wait3A_64] : memref<10240x128xf32, #tpu.memory_space<vmem_shared>> -> memref<128x128xf32, #tpu.memory_space<vmem_shared>>
        tpu.wait_dma2 semaphore(%run_scoped3A : memref<!tpu.dma_semaphore, #tpu.memory_space<semaphore_mem>>) src(%dma_wait3A_65 : memref<128x128xf32, #tpu.memory_space<vmem_shared>>) dst(%dma_wait3A_63 : memref<128x128xf32, #tpu.memory_space<hbm>>)
        tpu.yield
      }) : () -> ()
      %scan3A_57 = arith.constant 0 : i32
      scf.yield %scan3A_57 : i32
    }
    %scan3A_49 = arith.constant 5 : i32
    return
  }
}

module attributes {stable_mosaic.version = 14 : i64} {
  func.func @_y1_body(%arg0: i32, %arg1: memref<10000x128xf32, #tpu.memory_space<vmem>>, %arg2: memref<1x16x128xf32, #tpu.memory_space<vmem>>, %arg3: memref<1x10000x24xf32, #tpu.memory_space<vmem>>) attributes {dimension_semantics = [#tpu.dimension_semantics<arbitrary>], iteration_bounds = array<i64: 4>, scalar_prefetch = 0 : i64, scratch_operands = 0 : i64, tpu.core_type = #tpu.core_type<tc>, window_params = [{pipeline_mode = #tpu.pipeline_mode<synchronous>, transform_indices = @transform_0, window_bounds = array<i64: 10000, 128>}, {transform_indices = @transform_1, window_bounds = array<i64: 1, 16, 128>}, {transform_indices = @transform_2, window_bounds = array<i64: 1, 10000, 24>}]} {
    %get3A = arith.constant 0 : index
    %get3A_0 = arith.constant 0 : index
    %get3A_1 = vector.load %arg1[%get3A, %get3A_0] : memref<10000x128xf32, #tpu.memory_space<vmem>>, vector<10000x128xf32>
    %get3A_2 = arith.constant 0 : index
    %get3A_3 = arith.constant 0 : index
    %get3A_4 = arith.constant 0 : index
    %get3A_5 = vector.load %arg2[%get3A_2, %get3A_3, %get3A_4] : memref<1x16x128xf32, #tpu.memory_space<vmem>>, vector<1x16x128xf32>
    %get3A_6 = vector.shape_cast %get3A_5 : vector<1x16x128xf32> to vector<16x128xf32>
    %transpose3A = tpu.transpose %get3A_6, [1, 0] : vector<16x128xf32> -> vector<128x16xf32>
    %dot_general3A = arith.constant dense<0.000000e+00> : vector<10000x16xf32>
    %dot_general3A_7 = tpu.matmul %get3A_1, %transpose3A, %dot_general3A {dimension_numbers = #tpu.dot_dimension_numbers<[1], [0], [0], [1], [0, 0, 1, 1], [], []>, transpose_lhs_hint = false} : vector<10000x128xf32>, vector<128x16xf32>, vector<10000x16xf32> -> vector<10000x16xf32>
    %broadcast_in_dim3A = arith.constant 1.000000e+00 : f32
    %broadcast_in_dim3A_8 = vector.broadcast %broadcast_in_dim3A : f32 to vector<10000x1xf32>
    %broadcast_in_dim3A_9 = arith.constant 0.000000e+00 : f32
    %broadcast_in_dim3A_10 = vector.broadcast %broadcast_in_dim3A_9 : f32 to vector<10000x7xf32>
    %concatenate3A = tpu.concatenate %dot_general3A_7, %broadcast_in_dim3A_8, %broadcast_in_dim3A_10 in 1 : vector<10000x16xf32>, vector<10000x1xf32>, vector<10000x7xf32> -> vector<10000x24xf32>
    %swap3A = arith.constant 0 : index
    %swap3A_11 = arith.constant 0 : index
    %swap3A_12 = arith.constant 0 : index
    %swap3A_13 = vector.load %arg3[%swap3A, %swap3A_11, %swap3A_12] : memref<1x10000x24xf32, #tpu.memory_space<vmem>>, vector<1x10000x24xf32>
    %swap3A_14 = vector.shape_cast %swap3A_13 : vector<1x10000x24xf32> to vector<10000x24xf32>
    %swap3A_15 = vector.shape_cast %concatenate3A : vector<10000x24xf32> to vector<1x10000x24xf32>
    tpu.vector_store %arg3[%swap3A, %swap3A_11, %swap3A_12], %swap3A_15 {strides = array<i32>} : memref<1x10000x24xf32, #tpu.memory_space<vmem>>, vector<1x10000x24xf32>,
    return
  }
  func.func @transform_0(%arg0: i32) -> (i32, i32) {
    %c0_i32 = arith.constant 0 : i32
    %c0_i32_0 = arith.constant 0 : i32
    %c0_i32_1 = arith.constant 0 : i32
    return %c0_i32, %c0_i32_0 : i32, i32
  }
  func.func @transform_1(%arg0: i32) -> (i32, i32, i32) {
    %c0_i32 = arith.constant 0 : i32
    %c0_i32_0 = arith.constant 0 : i32
    %c0_i32_1 = arith.constant 0 : i32
    return %arg0, %c0_i32, %c0_i32_0 : i32, i32, i32
  }
  func.func @transform_2(%arg0: i32) -> (i32, i32, i32) {
    %c0_i32 = arith.constant 0 : i32
    %c0_i32_0 = arith.constant 0 : i32
    %c0_i32_1 = arith.constant 0 : i32
    return %arg0, %c0_i32, %c0_i32_0 : i32, i32, i32
  }
}

module attributes {stable_mosaic.version = 14 : i64} {
  func.func @_finish_body(%arg0: i32, %arg1: memref<1024x128xf32, #tpu.memory_space<vmem>>, %arg2: memref<2x1024x128xf32, #tpu.memory_space<vmem>>, %arg3: memref<2x4x1024x24xf32, #tpu.memory_space<vmem>>, %arg4: memref<2x4x1024xf32, #tpu.memory_space<vmem>>, %arg5: memref<128x128xf32, #tpu.memory_space<vmem>>, %arg6: memref<128x128xf32, #tpu.memory_space<vmem>>, %arg7: memref<128xf32, #tpu.memory_space<vmem>>, %arg8: memref<4x128x16xf32, #tpu.memory_space<vmem>>, %arg9: memref<4x128xf32, #tpu.memory_space<vmem>>, %arg10: memref<4x16x128xf32, #tpu.memory_space<vmem>>, %arg11: memref<4x16xf32, #tpu.memory_space<vmem>>, %arg12: memref<128x128xf32, #tpu.memory_space<vmem>>, %arg13: memref<128x128xf32, #tpu.memory_space<vmem>>, %arg14: memref<128x128xf32, #tpu.memory_space<vmem>>, %arg15: memref<128xf32, #tpu.memory_space<vmem>>, %arg16: memref<1024x128xf32, #tpu.memory_space<vmem>>) attributes {dimension_semantics = [#tpu.dimension_semantics<arbitrary>], iteration_bounds = array<i64: 10>, scalar_prefetch = 0 : i64, scratch_operands = 0 : i64, tpu.core_type = #tpu.core_type<tc>, window_params = [{transform_indices = @transform_0, window_bounds = array<i64: 1024, 128>}, {transform_indices = @transform_1, window_bounds = array<i64: 2, 1024, 128>}, {transform_indices = @transform_2, window_bounds = array<i64: 2, 4, 1024, 24>}, {transform_indices = @transform_3, window_bounds = array<i64: 2, 4, 1024>}, {pipeline_mode = #tpu.pipeline_mode<synchronous>, transform_indices = @transform_4, window_bounds = array<i64: 128, 128>}, {pipeline_mode = #tpu.pipeline_mode<synchronous>, transform_indices = @transform_5, window_bounds = array<i64: 128, 128>}, {pipeline_mode = #tpu.pipeline_mode<synchronous>, transform_indices = @transform_6, window_bounds = array<i64: 128>}, {pipeline_mode = #tpu.pipeline_mode<synchronous>, transform_indices = @transform_7, window_bounds = array<i64: 4, 128, 16>}, {pipeline_mode = #tpu.pipeline_mode<synchronous>, transform_indices = @transform_8, window_bounds = array<i64: 4, 128>}, {pipeline_mode = #tpu.pipeline_mode<synchronous>, transform_indices = @transform_9, window_bounds = array<i64: 4, 16, 128>}, {pipeline_mode = #tpu.pipeline_mode<synchronous>, transform_indices = @transform_10, window_bounds = array<i64: 4, 16>}, {pipeline_mode = #tpu.pipeline_mode<synchronous>, transform_indices = @transform_11, window_bounds = array<i64: 128, 128>}, {pipeline_mode = #tpu.pipeline_mode<synchronous>, transform_indices = @transform_12, window_bounds = array<i64: 128, 128>}, {pipeline_mode = #tpu.pipeline_mode<synchronous>, transform_indices = @transform_13, window_bounds = array<i64: 128, 128>}, {pipeline_mode = #tpu.pipeline_mode<synchronous>, transform_indices = @transform_14, window_bounds = array<i64: 128>}, {transform_indices = @transform_15, window_bounds = array<i64: 1024, 128>}]} {
    %get3A = arith.constant 0 : index
    %get3A_0 = arith.constant 0 : index
    %get3A_1 = vector.load %arg1[%get3A, %get3A_0] : memref<1024x128xf32, #tpu.memory_space<vmem>>, vector<1024x128xf32>
    %get3A_2 = arith.constant 0 : index
    %get3A_3 = arith.constant 0 : index
    %get3A_4 = arith.constant 0 : index
    %get3A_5 = vector.load %arg2[%get3A_2, %get3A_3, %get3A_4] : memref<2x1024x128xf32, #tpu.memory_space<vmem>>, vector<1x1024x128xf32>
    %get3A_6 = vector.shape_cast %get3A_5 : vector<1x1024x128xf32> to vector<1024x128xf32>
    %get3A_7 = arith.constant 1 : index
    %get3A_8 = arith.constant 0 : index
    %get3A_9 = arith.constant 0 : index
    %get3A_10 = vector.load %arg2[%get3A_7, %get3A_8, %get3A_9] : memref<2x1024x128xf32, #tpu.memory_space<vmem>>, vector<1x1024x128xf32>
    %get3A_11 = vector.shape_cast %get3A_10 : vector<1x1024x128xf32> to vector<1024x128xf32>
    %add3A = arith.addf %get3A_6, %get3A_11 : vector<1024x128xf32>
    %get3A_12 = arith.constant 0 : index
    %get3A_13 = arith.constant 0 : index
    %get3A_14 = arith.constant 0 : index
    %get3A_15 = arith.constant 0 : index
    %get3A_16 = vector.load %arg3[%get3A_12, %get3A_13, %get3A_14, %get3A_15] : memref<2x4x1024x24xf32, #tpu.memory_space<vmem>>, vector<1x4x1024x24xf32>
    %get3A_17 = vector.shape_cast %get3A_16 : vector<1x4x1024x24xf32> to vector<4x1024x24xf32>
    %get3A_18 = arith.constant 1 : index
    %get3A_19 = arith.constant 0 : index
    %get3A_20 = arith.constant 0 : index
    %get3A_21 = arith.constant 0 : index
    %get3A_22 = vector.load %arg3[%get3A_18, %get3A_19, %get3A_20, %get3A_21] : memref<2x4x1024x24xf32, #tpu.memory_space<vmem>>, vector<1x4x1024x24xf32>
    %get3A_23 = vector.shape_cast %get3A_22 : vector<1x4x1024x24xf32> to vector<4x1024x24xf32>
    %add3A_24 = arith.addf %get3A_17, %get3A_23 : vector<4x1024x24xf32>
    %slice3A = vector.extract_strided_slice %add3A_24 {offsets = [0, 0, 16], sizes = [4, 1024, 1], strides = [1, 1, 1]} : vector<4x1024x24xf32> to vector<4x1024x1xf32>
    %squeeze3A = vector.shape_cast %slice3A : vector<4x1024x1xf32> to vector<4x1024xf32>
    %get3A_25 = arith.constant 0 : index
    %get3A_26 = arith.constant 0 : index
    %get3A_27 = arith.constant 0 : index
    %get3A_28 = vector.load %arg4[%get3A_25, %get3A_26, %get3A_27] : memref<2x4x1024xf32, #tpu.memory_space<vmem>>, vector<1x4x1024xf32>
    %get3A_29 = vector.shape_cast %get3A_28 : vector<1x4x1024xf32> to vector<4x1024xf32>
    %get3A_30 = arith.constant 1 : index
    %get3A_31 = arith.constant 0 : index
    %get3A_32 = arith.constant 0 : index
    %get3A_33 = vector.load %arg4[%get3A_30, %get3A_31, %get3A_32] : memref<2x4x1024xf32, #tpu.memory_space<vmem>>, vector<1x4x1024xf32>
    %get3A_34 = vector.shape_cast %get3A_33 : vector<1x4x1024xf32> to vector<4x1024xf32>
    %add3A_35 = arith.addf %get3A_29, %get3A_34 : vector<4x1024xf32>
    %reduce_sum3A = arith.constant dense<0.000000e+00> : vector<1024xf32>
    %reduce_sum3A_36 = vector.multi_reduction <add>, %squeeze3A, %reduce_sum3A [0] : vector<4x1024xf32> to vector<1024xf32>
    %broadcast_in_dim3A = vector.shape_cast %reduce_sum3A_36 : vector<1024xf32> to vector<1024x1xf32>
    %reduce_sum3A_37 = arith.constant dense<0.000000e+00> : vector<1024xf32>
    %reduce_sum3A_38 = vector.multi_reduction <add>, %add3A_35, %reduce_sum3A_37 [0] : vector<4x1024xf32> to vector<1024xf32>
    %broadcast_in_dim3A_39 = vector.shape_cast %reduce_sum3A_38 : vector<1024xf32> to vector<1024x1xf32>
    %broadcast_in_dim3A_40 = arith.constant 0.000000e+00 : f32
    %broadcast_in_dim3A_41 = vector.broadcast %broadcast_in_dim3A_40 : f32 to vector<1024x128xf32>
    %slice3A_42 = vector.extract_strided_slice %add3A_24 {offsets = [0, 0, 0], sizes = [1, 1024, 16], strides = [1, 1, 1]} : vector<4x1024x24xf32> to vector<1x1024x16xf32>
    %squeeze3A_43 = vector.shape_cast %slice3A_42 : vector<1x1024x16xf32> to vector<1024x16xf32>
    %get3A_44 = arith.constant 0 : index
    %get3A_45 = arith.constant 0 : index
    %get3A_46 = arith.constant 0 : index
    %get3A_47 = vector.load %arg10[%get3A_44, %get3A_45, %get3A_46] : memref<4x16x128xf32, #tpu.memory_space<vmem>>, vector<1x16x128xf32>
    %get3A_48 = vector.shape_cast %get3A_47 : vector<1x16x128xf32> to vector<16x128xf32>
    %transpose3A = tpu.transpose %get3A_48, [1, 0] : vector<16x128xf32> -> vector<128x16xf32>
    %dot_general3A = arith.constant dense<0.000000e+00> : vector<1024x16xf32>
    %dot_general3A_49 = tpu.matmul %get3A_1, %transpose3A, %dot_general3A {dimension_numbers = #tpu.dot_dimension_numbers<[1], [0], [0], [1], [0, 0, 1, 1], [], []>, transpose_lhs_hint = false} : vector<1024x128xf32>, vector<128x16xf32>, vector<1024x16xf32> -> vector<1024x16xf32>
    %slice3A_50 = vector.extract_strided_slice %squeeze3A {offsets = [0, 0], sizes = [1, 1024], strides = [1, 1]} : vector<4x1024xf32> to vector<1x1024xf32>
    %squeeze3A_51 = vector.shape_cast %slice3A_50 : vector<1x1024xf32> to vector<1024xf32>
    %broadcast_in_dim3A_52 = vector.shape_cast %squeeze3A_51 : vector<1024xf32> to vector<1024x1xf32>
    %mul3A = vector.broadcast %broadcast_in_dim3A_52 : vector<1024x1xf32> to vector<1024x16xf32>
    %mul3A_53 = arith.mulf %mul3A, %dot_general3A_49 : vector<1024x16xf32>
    %add3A_54 = arith.addf %squeeze3A_43, %mul3A_53 : vector<1024x16xf32>
    %slice3A_55 = vector.extract_strided_slice %add3A_35 {offsets = [0, 0], sizes = [1, 1024], strides = [1, 1]} : vector<4x1024xf32> to vector<1x1024xf32>
    %squeeze3A_56 = vector.shape_cast %slice3A_55 : vector<1x1024xf32> to vector<1024xf32>
    %broadcast_in_dim3A_57 = vector.shape_cast %squeeze3A_56 : vector<1024xf32> to vector<1024x1xf32>
    %get3A_58 = arith.constant 0 : index
    %get3A_59 = arith.constant 0 : index
    %get3A_60 = vector.load %arg11[%get3A_58, %get3A_59] : memref<4x16xf32, #tpu.memory_space<vmem>>, vector<1x16xf32>
    %get3A_61 = vector.shape_cast %get3A_60 : vector<1x16xf32> to vector<16xf32>
    %broadcast_in_dim3A_62 = vector.shape_cast %get3A_61 : vector<16xf32> to vector<1x16xf32>
    %mul3A_63 = vector.broadcast %broadcast_in_dim3A_57 : vector<1024x1xf32> to vector<1024x16xf32>
    %mul3A_64 = vector.broadcast %broadcast_in_dim3A_62 : vector<1x16xf32> to vector<1024x16xf32>
    %mul3A_65 = arith.mulf %mul3A_63, %mul3A_64 : vector<1024x16xf32>
    %add3A_66 = arith.addf %add3A_54, %mul3A_65 : vector<1024x16xf32>
    %get3A_67 = arith.constant 0 : index
    %get3A_68 = arith.constant 0 : index
    %get3A_69 = arith.constant 0 : index
    %get3A_70 = vector.load %arg8[%get3A_67, %get3A_68, %get3A_69] : memref<4x128x16xf32, #tpu.memory_space<vmem>>, vector<1x128x16xf32>
    %get3A_71 = vector.shape_cast %get3A_70 : vector<1x128x16xf32> to vector<128x16xf32>
    %transpose3A_72 = tpu.transpose %get3A_71, [1, 0] : vector<128x16xf32> -> vector<16x128xf32>
    %dot_general3A_73 = arith.constant dense<0.000000e+00> : vector<1024x128xf32>
    %dot_general3A_74 = tpu.matmul %add3A_66, %transpose3A_72, %dot_general3A_73 {dimension_numbers = #tpu.dot_dimension_numbers<[1], [0], [0], [1], [0, 0, 1, 1], [], []>, transpose_lhs_hint = false} : vector<1024x16xf32>, vector<16x128xf32>, vector<1024x128xf32> -> vector<1024x128xf32>
    %add3A_75 = arith.addf %broadcast_in_dim3A_41, %dot_general3A_74 : vector<1024x128xf32>
    %slice3A_76 = vector.extract_strided_slice %squeeze3A {offsets = [0, 0], sizes = [1, 1024], strides = [1, 1]} : vector<4x1024xf32> to vector<1x1024xf32>
    %squeeze3A_77 = vector.shape_cast %slice3A_76 : vector<1x1024xf32> to vector<1024xf32>
    %broadcast_in_dim3A_78 = vector.shape_cast %squeeze3A_77 : vector<1024xf32> to vector<1024x1xf32>
    %get3A_79 = arith.constant 0 : index
    %get3A_80 = arith.constant 0 : index
    %get3A_81 = vector.load %arg9[%get3A_79, %get3A_80] : memref<4x128xf32, #tpu.memory_space<vmem>>, vector<1x128xf32>
    %get3A_82 = vector.shape_cast %get3A_81 : vector<1x128xf32> to vector<128xf32>
    %broadcast_in_dim3A_83 = vector.shape_cast %get3A_82 : vector<128xf32> to vector<1x128xf32>
    %mul3A_84 = vector.broadcast %broadcast_in_dim3A_78 : vector<1024x1xf32> to vector<1024x128xf32>
    %mul3A_85 = vector.broadcast %broadcast_in_dim3A_83 : vector<1x128xf32> to vector<1024x128xf32>
    %mul3A_86 = arith.mulf %mul3A_84, %mul3A_85 : vector<1024x128xf32>
    %add3A_87 = arith.addf %add3A_75, %mul3A_86 : vector<1024x128xf32>
    %slice3A_88 = vector.extract_strided_slice %add3A_24 {offsets = [1, 0, 0], sizes = [1, 1024, 16], strides = [1, 1, 1]} : vector<4x1024x24xf32> to vector<1x1024x16xf32>
    %squeeze3A_89 = vector.shape_cast %slice3A_88 : vector<1x1024x16xf32> to vector<1024x16xf32>
    %get3A_90 = arith.constant 1 : index
    %get3A_91 = arith.constant 0 : index
    %get3A_92 = arith.constant 0 : index
    %get3A_93 = vector.load %arg10[%get3A_90, %get3A_91, %get3A_92] : memref<4x16x128xf32, #tpu.memory_space<vmem>>, vector<1x16x128xf32>
    %get3A_94 = vector.shape_cast %get3A_93 : vector<1x16x128xf32> to vector<16x128xf32>
    %transpose3A_95 = tpu.transpose %get3A_94, [1, 0] : vector<16x128xf32> -> vector<128x16xf32>
    %dot_general3A_96 = arith.constant dense<0.000000e+00> : vector<1024x16xf32>
    %dot_general3A_97 = tpu.matmul %get3A_1, %transpose3A_95, %dot_general3A_96 {dimension_numbers = #tpu.dot_dimension_numbers<[1], [0], [0], [1], [0, 0, 1, 1], [], []>, transpose_lhs_hint = false} : vector<1024x128xf32>, vector<128x16xf32>, vector<1024x16xf32> -> vector<1024x16xf32>
    %slice3A_98 = vector.extract_strided_slice %squeeze3A {offsets = [1, 0], sizes = [1, 1024], strides = [1, 1]} : vector<4x1024xf32> to vector<1x1024xf32>
    %squeeze3A_99 = vector.shape_cast %slice3A_98 : vector<1x1024xf32> to vector<1024xf32>
    %broadcast_in_dim3A_100 = vector.shape_cast %squeeze3A_99 : vector<1024xf32> to vector<1024x1xf32>
    %mul3A_101 = vector.broadcast %broadcast_in_dim3A_100 : vector<1024x1xf32> to vector<1024x16xf32>
    %mul3A_102 = arith.mulf %mul3A_101, %dot_general3A_97 : vector<1024x16xf32>
    %add3A_103 = arith.addf %squeeze3A_89, %mul3A_102 : vector<1024x16xf32>
    %slice3A_104 = vector.extract_strided_slice %add3A_35 {offsets = [1, 0], sizes = [1, 1024], strides = [1, 1]} : vector<4x1024xf32> to vector<1x1024xf32>
    %squeeze3A_105 = vector.shape_cast %slice3A_104 : vector<1x1024xf32> to vector<1024xf32>
    %broadcast_in_dim3A_106 = vector.shape_cast %squeeze3A_105 : vector<1024xf32> to vector<1024x1xf32>
    %get3A_107 = arith.constant 1 : index
    %get3A_108 = arith.constant 0 : index
    %get3A_109 = vector.load %arg11[%get3A_107, %get3A_108] : memref<4x16xf32, #tpu.memory_space<vmem>>, vector<1x16xf32>
    %get3A_110 = vector.shape_cast %get3A_109 : vector<1x16xf32> to vector<16xf32>
    %broadcast_in_dim3A_111 = vector.shape_cast %get3A_110 : vector<16xf32> to vector<1x16xf32>
    %mul3A_112 = vector.broadcast %broadcast_in_dim3A_106 : vector<1024x1xf32> to vector<1024x16xf32>
    %mul3A_113 = vector.broadcast %broadcast_in_dim3A_111 : vector<1x16xf32> to vector<1024x16xf32>
    %mul3A_114 = arith.mulf %mul3A_112, %mul3A_113 : vector<1024x16xf32>
    %add3A_115 = arith.addf %add3A_103, %mul3A_114 : vector<1024x16xf32>
    %get3A_116 = arith.constant 1 : index
    %get3A_117 = arith.constant 0 : index
    %get3A_118 = arith.constant 0 : index
    %get3A_119 = vector.load %arg8[%get3A_116, %get3A_117, %get3A_118] : memref<4x128x16xf32, #tpu.memory_space<vmem>>, vector<1x128x16xf32>
    %get3A_120 = vector.shape_cast %get3A_119 : vector<1x128x16xf32> to vector<128x16xf32>
    %transpose3A_121 = tpu.transpose %get3A_120, [1, 0] : vector<128x16xf32> -> vector<16x128xf32>
    %dot_general3A_122 = arith.constant dense<0.000000e+00> : vector<1024x128xf32>
    %dot_general3A_123 = tpu.matmul %add3A_115, %transpose3A_121, %dot_general3A_122 {dimension_numbers = #tpu.dot_dimension_numbers<[1], [0], [0], [1], [0, 0, 1, 1], [], []>, transpose_lhs_hint = false} : vector<1024x16xf32>, vector<16x128xf32>, vector<1024x128xf32> -> vector<1024x128xf32>
    %add3A_124 = arith.addf %add3A_87, %dot_general3A_123 : vector<1024x128xf32>
    %slice3A_125 = vector.extract_strided_slice %squeeze3A {offsets = [1, 0], sizes = [1, 1024], strides = [1, 1]} : vector<4x1024xf32> to vector<1x1024xf32>
    %squeeze3A_126 = vector.shape_cast %slice3A_125 : vector<1x1024xf32> to vector<1024xf32>
    %broadcast_in_dim3A_127 = vector.shape_cast %squeeze3A_126 : vector<1024xf32> to vector<1024x1xf32>
    %get3A_128 = arith.constant 1 : index
    %get3A_129 = arith.constant 0 : index
    %get3A_130 = vector.load %arg9[%get3A_128, %get3A_129] : memref<4x128xf32, #tpu.memory_space<vmem>>, vector<1x128xf32>
    %get3A_131 = vector.shape_cast %get3A_130 : vector<1x128xf32> to vector<128xf32>
    %broadcast_in_dim3A_132 = vector.shape_cast %get3A_131 : vector<128xf32> to vector<1x128xf32>
    %mul3A_133 = vector.broadcast %broadcast_in_dim3A_127 : vector<1024x1xf32> to vector<1024x128xf32>
    %mul3A_134 = vector.broadcast %broadcast_in_dim3A_132 : vector<1x128xf32> to vector<1024x128xf32>
    %mul3A_135 = arith.mulf %mul3A_133, %mul3A_134 : vector<1024x128xf32>
    %add3A_136 = arith.addf %add3A_124, %mul3A_135 : vector<1024x128xf32>
    %slice3A_137 = vector.extract_strided_slice %add3A_24 {offsets = [2, 0, 0], sizes = [1, 1024, 16], strides = [1, 1, 1]} : vector<4x1024x24xf32> to vector<1x1024x16xf32>
    %squeeze3A_138 = vector.shape_cast %slice3A_137 : vector<1x1024x16xf32> to vector<1024x16xf32>
    %get3A_139 = arith.constant 2 : index
    %get3A_140 = arith.constant 0 : index
    %get3A_141 = arith.constant 0 : index
    %get3A_142 = vector.load %arg10[%get3A_139, %get3A_140, %get3A_141] : memref<4x16x128xf32, #tpu.memory_space<vmem>>, vector<1x16x128xf32>
    %get3A_143 = vector.shape_cast %get3A_142 : vector<1x16x128xf32> to vector<16x128xf32>
    %transpose3A_144 = tpu.transpose %get3A_143, [1, 0] : vector<16x128xf32> -> vector<128x16xf32>
    %dot_general3A_145 = arith.constant dense<0.000000e+00> : vector<1024x16xf32>
    %dot_general3A_146 = tpu.matmul %get3A_1, %transpose3A_144, %dot_general3A_145 {dimension_numbers = #tpu.dot_dimension_numbers<[1], [0], [0], [1], [0, 0, 1, 1], [], []>, transpose_lhs_hint = false} : vector<1024x128xf32>, vector<128x16xf32>, vector<1024x16xf32> -> vector<1024x16xf32>
    %slice3A_147 = vector.extract_strided_slice %squeeze3A {offsets = [2, 0], sizes = [1, 1024], strides = [1, 1]} : vector<4x1024xf32> to vector<1x1024xf32>
    %squeeze3A_148 = vector.shape_cast %slice3A_147 : vector<1x1024xf32> to vector<1024xf32>
    %broadcast_in_dim3A_149 = vector.shape_cast %squeeze3A_148 : vector<1024xf32> to vector<1024x1xf32>
    %mul3A_150 = vector.broadcast %broadcast_in_dim3A_149 : vector<1024x1xf32> to vector<1024x16xf32>
    %mul3A_151 = arith.mulf %mul3A_150, %dot_general3A_146 : vector<1024x16xf32>
    %add3A_152 = arith.addf %squeeze3A_138, %mul3A_151 : vector<1024x16xf32>
    %slice3A_153 = vector.extract_strided_slice %add3A_35 {offsets = [2, 0], sizes = [1, 1024], strides = [1, 1]} : vector<4x1024xf32> to vector<1x1024xf32>
    %squeeze3A_154 = vector.shape_cast %slice3A_153 : vector<1x1024xf32> to vector<1024xf32>
    %broadcast_in_dim3A_155 = vector.shape_cast %squeeze3A_154 : vector<1024xf32> to vector<1024x1xf32>
    %get3A_156 = arith.constant 2 : index
    %get3A_157 = arith.constant 0 : index
    %get3A_158 = vector.load %arg11[%get3A_156, %get3A_157] : memref<4x16xf32, #tpu.memory_space<vmem>>, vector<1x16xf32>
    %get3A_159 = vector.shape_cast %get3A_158 : vector<1x16xf32> to vector<16xf32>
    %broadcast_in_dim3A_160 = vector.shape_cast %get3A_159 : vector<16xf32> to vector<1x16xf32>
    %mul3A_161 = vector.broadcast %broadcast_in_dim3A_155 : vector<1024x1xf32> to vector<1024x16xf32>
    %mul3A_162 = vector.broadcast %broadcast_in_dim3A_160 : vector<1x16xf32> to vector<1024x16xf32>
    %mul3A_163 = arith.mulf %mul3A_161, %mul3A_162 : vector<1024x16xf32>
    %add3A_164 = arith.addf %add3A_152, %mul3A_163 : vector<1024x16xf32>
    %get3A_165 = arith.constant 2 : index
    %get3A_166 = arith.constant 0 : index
    %get3A_167 = arith.constant 0 : index
    %get3A_168 = vector.load %arg8[%get3A_165, %get3A_166, %get3A_167] : memref<4x128x16xf32, #tpu.memory_space<vmem>>, vector<1x128x16xf32>
    %get3A_169 = vector.shape_cast %get3A_168 : vector<1x128x16xf32> to vector<128x16xf32>
    %transpose3A_170 = tpu.transpose %get3A_169, [1, 0] : vector<128x16xf32> -> vector<16x128xf32>
    %dot_general3A_171 = arith.constant dense<0.000000e+00> : vector<1024x128xf32>
    %dot_general3A_172 = tpu.matmul %add3A_164, %transpose3A_170, %dot_general3A_171 {dimension_numbers = #tpu.dot_dimension_numbers<[1], [0], [0], [1], [0, 0, 1, 1], [], []>, transpose_lhs_hint = false} : vector<1024x16xf32>, vector<16x128xf32>, vector<1024x128xf32> -> vector<1024x128xf32>
    %add3A_173 = arith.addf %add3A_136, %dot_general3A_172 : vector<1024x128xf32>
    %slice3A_174 = vector.extract_strided_slice %squeeze3A {offsets = [2, 0], sizes = [1, 1024], strides = [1, 1]} : vector<4x1024xf32> to vector<1x1024xf32>
    %squeeze3A_175 = vector.shape_cast %slice3A_174 : vector<1x1024xf32> to vector<1024xf32>
    %broadcast_in_dim3A_176 = vector.shape_cast %squeeze3A_175 : vector<1024xf32> to vector<1024x1xf32>
    %get3A_177 = arith.constant 2 : index
    %get3A_178 = arith.constant 0 : index
    %get3A_179 = vector.load %arg9[%get3A_177, %get3A_178] : memref<4x128xf32, #tpu.memory_space<vmem>>, vector<1x128xf32>
    %get3A_180 = vector.shape_cast %get3A_179 : vector<1x128xf32> to vector<128xf32>
    %broadcast_in_dim3A_181 = vector.shape_cast %get3A_180 : vector<128xf32> to vector<1x128xf32>
    %mul3A_182 = vector.broadcast %broadcast_in_dim3A_176 : vector<1024x1xf32> to vector<1024x128xf32>
    %mul3A_183 = vector.broadcast %broadcast_in_dim3A_181 : vector<1x128xf32> to vector<1024x128xf32>
    %mul3A_184 = arith.mulf %mul3A_182, %mul3A_183 : vector<1024x128xf32>
    %add3A_185 = arith.addf %add3A_173, %mul3A_184 : vector<1024x128xf32>
    %slice3A_186 = vector.extract_strided_slice %add3A_24 {offsets = [3, 0, 0], sizes = [1, 1024, 16], strides = [1, 1, 1]} : vector<4x1024x24xf32> to vector<1x1024x16xf32>
    %squeeze3A_187 = vector.shape_cast %slice3A_186 : vector<1x1024x16xf32> to vector<1024x16xf32>
    %get3A_188 = arith.constant 3 : index
    %get3A_189 = arith.constant 0 : index
    %get3A_190 = arith.constant 0 : index
    %get3A_191 = vector.load %arg10[%get3A_188, %get3A_189, %get3A_190] : memref<4x16x128xf32, #tpu.memory_space<vmem>>, vector<1x16x128xf32>
    %get3A_192 = vector.shape_cast %get3A_191 : vector<1x16x128xf32> to vector<16x128xf32>
    %transpose3A_193 = tpu.transpose %get3A_192, [1, 0] : vector<16x128xf32> -> vector<128x16xf32>
    %dot_general3A_194 = arith.constant dense<0.000000e+00> : vector<1024x16xf32>
    %dot_general3A_195 = tpu.matmul %get3A_1, %transpose3A_193, %dot_general3A_194 {dimension_numbers = #tpu.dot_dimension_numbers<[1], [0], [0], [1], [0, 0, 1, 1], [], []>, transpose_lhs_hint = false} : vector<1024x128xf32>, vector<128x16xf32>, vector<1024x16xf32> -> vector<1024x16xf32>
    %slice3A_196 = vector.extract_strided_slice %squeeze3A {offsets = [3, 0], sizes = [1, 1024], strides = [1, 1]} : vector<4x1024xf32> to vector<1x1024xf32>
    %squeeze3A_197 = vector.shape_cast %slice3A_196 : vector<1x1024xf32> to vector<1024xf32>
    %broadcast_in_dim3A_198 = vector.shape_cast %squeeze3A_197 : vector<1024xf32> to vector<1024x1xf32>
    %mul3A_199 = vector.broadcast %broadcast_in_dim3A_198 : vector<1024x1xf32> to vector<1024x16xf32>
    %mul3A_200 = arith.mulf %mul3A_199, %dot_general3A_195 : vector<1024x16xf32>
    %add3A_201 = arith.addf %squeeze3A_187, %mul3A_200 : vector<1024x16xf32>
    %slice3A_202 = vector.extract_strided_slice %add3A_35 {offsets = [3, 0], sizes = [1, 1024], strides = [1, 1]} : vector<4x1024xf32> to vector<1x1024xf32>
    %squeeze3A_203 = vector.shape_cast %slice3A_202 : vector<1x1024xf32> to vector<1024xf32>
    %broadcast_in_dim3A_204 = vector.shape_cast %squeeze3A_203 : vector<1024xf32> to vector<1024x1xf32>
    %get3A_205 = arith.constant 3 : index
    %get3A_206 = arith.constant 0 : index
    %get3A_207 = vector.load %arg11[%get3A_205, %get3A_206] : memref<4x16xf32, #tpu.memory_space<vmem>>, vector<1x16xf32>
    %get3A_208 = vector.shape_cast %get3A_207 : vector<1x16xf32> to vector<16xf32>
    %broadcast_in_dim3A_209 = vector.shape_cast %get3A_208 : vector<16xf32> to vector<1x16xf32>
    %mul3A_210 = vector.broadcast %broadcast_in_dim3A_204 : vector<1024x1xf32> to vector<1024x16xf32>
    %mul3A_211 = vector.broadcast %broadcast_in_dim3A_209 : vector<1x16xf32> to vector<1024x16xf32>
    %mul3A_212 = arith.mulf %mul3A_210, %mul3A_211 : vector<1024x16xf32>
    %add3A_213 = arith.addf %add3A_201, %mul3A_212 : vector<1024x16xf32>
    %get3A_214 = arith.constant 3 : index
    %get3A_215 = arith.constant 0 : index
    %get3A_216 = arith.constant 0 : index
    %get3A_217 = vector.load %arg8[%get3A_214, %get3A_215, %get3A_216] : memref<4x128x16xf32, #tpu.memory_space<vmem>>, vector<1x128x16xf32>
    %get3A_218 = vector.shape_cast %get3A_217 : vector<1x128x16xf32> to vector<128x16xf32>
    %transpose3A_219 = tpu.transpose %get3A_218, [1, 0] : vector<128x16xf32> -> vector<16x128xf32>
    %dot_general3A_220 = arith.constant dense<0.000000e+00> : vector<1024x128xf32>
    %dot_general3A_221 = tpu.matmul %add3A_213, %transpose3A_219, %dot_general3A_220 {dimension_numbers = #tpu.dot_dimension_numbers<[1], [0], [0], [1], [0, 0, 1, 1], [], []>, transpose_lhs_hint = false} : vector<1024x16xf32>, vector<16x128xf32>, vector<1024x128xf32> -> vector<1024x128xf32>
    %add3A_222 = arith.addf %add3A_185, %dot_general3A_221 : vector<1024x128xf32>
    %slice3A_223 = vector.extract_strided_slice %squeeze3A {offsets = [3, 0], sizes = [1, 1024], strides = [1, 1]} : vector<4x1024xf32> to vector<1x1024xf32>
    %squeeze3A_224 = vector.shape_cast %slice3A_223 : vector<1x1024xf32> to vector<1024xf32>
    %broadcast_in_dim3A_225 = vector.shape_cast %squeeze3A_224 : vector<1024xf32> to vector<1024x1xf32>
    %get3A_226 = arith.constant 3 : index
    %get3A_227 = arith.constant 0 : index
    %get3A_228 = vector.load %arg9[%get3A_226, %get3A_227] : memref<4x128xf32, #tpu.memory_space<vmem>>, vector<1x128xf32>
    %get3A_229 = vector.shape_cast %get3A_228 : vector<1x128xf32> to vector<128xf32>
    %broadcast_in_dim3A_230 = vector.shape_cast %get3A_229 : vector<128xf32> to vector<1x128xf32>
    %mul3A_231 = vector.broadcast %broadcast_in_dim3A_225 : vector<1024x1xf32> to vector<1024x128xf32>
    %mul3A_232 = vector.broadcast %broadcast_in_dim3A_230 : vector<1x128xf32> to vector<1024x128xf32>
    %mul3A_233 = arith.mulf %mul3A_231, %mul3A_232 : vector<1024x128xf32>
    %add3A_234 = arith.addf %add3A_222, %mul3A_233 : vector<1024x128xf32>
    %get3A_235 = arith.constant 0 : index
    %get3A_236 = arith.constant 0 : index
    %get3A_237 = vector.load %arg5[%get3A_235, %get3A_236] : memref<128x128xf32, #tpu.memory_space<vmem>>, vector<128x128xf32>
    %transpose3A_238 = tpu.transpose %get3A_237, [1, 0] : vector<128x128xf32> -> vector<128x128xf32>
    %dot_general3A_239 = arith.constant dense<0.000000e+00> : vector<1024x128xf32>
    %dot_general3A_240 = tpu.matmul %add3A, %transpose3A_238, %dot_general3A_239 {dimension_numbers = #tpu.dot_dimension_numbers<[1], [0], [0], [1], [0, 0, 1, 1], [], []>, transpose_lhs_hint = false} : vector<1024x128xf32>, vector<128x128xf32>, vector<1024x128xf32> -> vector<1024x128xf32>
    %get3A_241 = arith.constant 0 : index
    %get3A_242 = arith.constant 0 : index
    %get3A_243 = vector.load %arg6[%get3A_241, %get3A_242] : memref<128x128xf32, #tpu.memory_space<vmem>>, vector<128x128xf32>
    %transpose3A_244 = tpu.transpose %get3A_243, [1, 0] : vector<128x128xf32> -> vector<128x128xf32>
    %dot_general3A_245 = arith.constant dense<0.000000e+00> : vector<1024x128xf32>
    %dot_general3A_246 = tpu.matmul %get3A_1, %transpose3A_244, %dot_general3A_245 {dimension_numbers = #tpu.dot_dimension_numbers<[1], [0], [0], [1], [0, 0, 1, 1], [], []>, transpose_lhs_hint = false} : vector<1024x128xf32>, vector<128x128xf32>, vector<1024x128xf32> -> vector<1024x128xf32>
    %mul3A_247 = vector.broadcast %broadcast_in_dim3A : vector<1024x1xf32> to vector<1024x128xf32>
    %mul3A_248 = arith.mulf %mul3A_247, %dot_general3A_246 : vector<1024x128xf32>
    %add3A_249 = arith.addf %dot_general3A_240, %mul3A_248 : vector<1024x128xf32>
    %get3A_250 = arith.constant 0 : index
    %get3A_251 = vector.load %arg7[%get3A_250] : memref<128xf32, #tpu.memory_space<vmem>>, vector<128xf32>
    %broadcast_in_dim3A_252 = vector.shape_cast %get3A_251 : vector<128xf32> to vector<1x128xf32>
    %mul3A_253 = vector.broadcast %broadcast_in_dim3A_39 : vector<1024x1xf32> to vector<1024x128xf32>
    %mul3A_254 = vector.broadcast %broadcast_in_dim3A_252 : vector<1x128xf32> to vector<1024x128xf32>
    %mul3A_255 = arith.mulf %mul3A_253, %mul3A_254 : vector<1024x128xf32>
    %add3A_256 = arith.addf %add3A_249, %mul3A_255 : vector<1024x128xf32>
    %add3A_257 = arith.addf %add3A_234, %add3A_256 : vector<1024x128xf32>
    %max3A = arith.constant 1.000000e+00 : f32
    %max3A_258 = vector.broadcast %max3A : f32 to vector<1024x1xf32>
    %max3A_259 = arith.maximumf %broadcast_in_dim3A, %max3A_258 : vector<1024x1xf32>
    %div3A = vector.broadcast %max3A_259 : vector<1024x1xf32> to vector<1024x128xf32>
    %div3A_260 = arith.divf %add3A_257, %div3A : vector<1024x128xf32>
    %get3A_261 = arith.constant 0 : index
    %get3A_262 = arith.constant 0 : index
    %get3A_263 = vector.load %arg12[%get3A_261, %get3A_262] : memref<128x128xf32, #tpu.memory_space<vmem>>, vector<128x128xf32>
    %transpose3A_264 = tpu.transpose %get3A_263, [1, 0] : vector<128x128xf32> -> vector<128x128xf32>
    %dot_general3A_265 = arith.constant dense<0.000000e+00> : vector<1024x128xf32>
    %dot_general3A_266 = tpu.matmul %get3A_1, %transpose3A_264, %dot_general3A_265 {dimension_numbers = #tpu.dot_dimension_numbers<[1], [0], [0], [1], [0, 0, 1, 1], [], []>, transpose_lhs_hint = false} : vector<1024x128xf32>, vector<128x128xf32>, vector<1024x128xf32> -> vector<1024x128xf32>
    %get3A_267 = arith.constant 0 : index
    %get3A_268 = arith.constant 0 : index
    %get3A_269 = vector.load %arg13[%get3A_267, %get3A_268] : memref<128x128xf32, #tpu.memory_space<vmem>>, vector<128x128xf32>
    %transpose3A_270 = tpu.transpose %get3A_269, [1, 0] : vector<128x128xf32> -> vector<128x128xf32>
    %dot_general3A_271 = arith.constant dense<0.000000e+00> : vector<1024x128xf32>
    %dot_general3A_272 = tpu.matmul %get3A_1, %transpose3A_270, %dot_general3A_271 {dimension_numbers = #tpu.dot_dimension_numbers<[1], [0], [0], [1], [0, 0, 1, 1], [], []>, transpose_lhs_hint = false} : vector<1024x128xf32>, vector<128x128xf32>, vector<1024x128xf32> -> vector<1024x128xf32>
    %get3A_273 = arith.constant 0 : index
    %get3A_274 = arith.constant 0 : index
    %get3A_275 = vector.load %arg14[%get3A_273, %get3A_274] : memref<128x128xf32, #tpu.memory_space<vmem>>, vector<128x128xf32>
    %transpose3A_276 = tpu.transpose %get3A_275, [1, 0] : vector<128x128xf32> -> vector<128x128xf32>
    %dot_general3A_277 = arith.constant dense<0.000000e+00> : vector<1024x128xf32>
    %dot_general3A_278 = tpu.matmul %div3A_260, %transpose3A_276, %dot_general3A_277 {dimension_numbers = #tpu.dot_dimension_numbers<[1], [0], [0], [1], [0, 0, 1, 1], [], []>, transpose_lhs_hint = false} : vector<1024x128xf32>, vector<128x128xf32>, vector<1024x128xf32> -> vector<1024x128xf32>
    %add3A_279 = arith.addf %dot_general3A_272, %dot_general3A_278 : vector<1024x128xf32>
    %get3A_280 = arith.constant 0 : index
    %get3A_281 = vector.load %arg15[%get3A_280] : memref<128xf32, #tpu.memory_space<vmem>>, vector<128xf32>
    %broadcast_in_dim3A_282 = vector.shape_cast %get3A_281 : vector<128xf32> to vector<1x128xf32>
    %add3A_283 = vector.broadcast %broadcast_in_dim3A_282 : vector<1x128xf32> to vector<1024x128xf32>
    %add3A_284 = arith.addf %add3A_279, %add3A_283 : vector<1024x128xf32>
    %max3A_285 = arith.constant 0.000000e+00 : f32
    %max3A_286 = vector.broadcast %max3A_285 : f32 to vector<1024x128xf32>
    %max3A_287 = arith.maximumf %add3A_284, %max3A_286 : vector<1024x128xf32>
    %add3A_288 = arith.addf %dot_general3A_266, %max3A_287 : vector<1024x128xf32>
    %swap3A = arith.constant 0 : index
    %swap3A_289 = arith.constant 0 : index
    %swap3A_290 = vector.load %arg16[%swap3A, %swap3A_289] : memref<1024x128xf32, #tpu.memory_space<vmem>>, vector<1024x128xf32>
    tpu.vector_store %arg16[%swap3A, %swap3A_289], %add3A_288 {strides = array<i32>} : memref<1024x128xf32, #tpu.memory_space<vmem>>, vector<1024x128xf32>,
    return
  }
  func.func @transform_0(%arg0: i32) -> (i32, i32) {
    %c0_i32 = arith.constant 0 : i32
    %c0_i32_0 = arith.constant 0 : i32
    return %arg0, %c0_i32 : i32, i32
  }
  func.func @transform_1(%arg0: i32) -> (i32, i32, i32) {
    %c0_i32 = arith.constant 0 : i32
    %c0_i32_0 = arith.constant 0 : i32
    %c0_i32_1 = arith.constant 0 : i32
    return %c0_i32, %arg0, %c0_i32_0 : i32, i32, i32
  }
  func.func @transform_2(%arg0: i32) -> (i32, i32, i32, i32) {
    %c0_i32 = arith.constant 0 : i32
    %c0_i32_0 = arith.constant 0 : i32
    %c0_i32_1 = arith.constant 0 : i32
    %c0_i32_2 = arith.constant 0 : i32
    return %c0_i32, %c0_i32_0, %arg0, %c0_i32_1 : i32, i32, i32, i32
  }
  func.func @transform_3(%arg0: i32) -> (i32, i32, i32) {
    %c0_i32 = arith.constant 0 : i32
    %c0_i32_0 = arith.constant 0 : i32
    %c0_i32_1 = arith.constant 0 : i32
    return %c0_i32, %c0_i32_0, %arg0 : i32, i32, i32
  }
  func.func @transform_4(%arg0: i32) -> (i32, i32) {
    %c0_i32 = arith.constant 0 : i32
    %c0_i32_0 = arith.constant 0 : i32
    %c0_i32_1 = arith.constant 0 : i32
    return %c0_i32, %c0_i32_0 : i32, i32
  }
  func.func @transform_5(%arg0: i32) -> (i32, i32) {
    %c0_i32 = arith.constant 0 : i32
    %c0_i32_0 = arith.constant 0 : i32
    %c0_i32_1 = arith.constant 0 : i32
    return %c0_i32, %c0_i32_0 : i32, i32
  }
  func.func @transform_6(%arg0: i32) -> i32 {
    %c0_i32 = arith.constant 0 : i32
    %c0_i32_0 = arith.constant 0 : i32
    return %c0_i32 : i32
  }
  func.func @transform_7(%arg0: i32) -> (i32, i32, i32) {
    %c0_i32 = arith.constant 0 : i32
    %c0_i32_0 = arith.constant 0 : i32
    %c0_i32_1 = arith.constant 0 : i32
    %c0_i32_2 = arith.constant 0 : i32
    return %c0_i32, %c0_i32_0, %c0_i32_1 : i32, i32, i32
  }
  func.func @transform_8(%arg0: i32) -> (i32, i32) {
    %c0_i32 = arith.constant 0 : i32
    %c0_i32_0 = arith.constant 0 : i32
    %c0_i32_1 = arith.constant 0 : i32
    return %c0_i32, %c0_i32_0 : i32, i32
  }
  func.func @transform_9(%arg0: i32) -> (i32, i32, i32) {
    %c0_i32 = arith.constant 0 : i32
    %c0_i32_0 = arith.constant 0 : i32
    %c0_i32_1 = arith.constant 0 : i32
    %c0_i32_2 = arith.constant 0 : i32
    return %c0_i32, %c0_i32_0, %c0_i32_1 : i32, i32, i32
  }
  func.func @transform_10(%arg0: i32) -> (i32, i32) {
    %c0_i32 = arith.constant 0 : i32
    %c0_i32_0 = arith.constant 0 : i32
    %c0_i32_1 = arith.constant 0 : i32
    return %c0_i32, %c0_i32_0 : i32, i32
  }
  func.func @transform_11(%arg0: i32) -> (i32, i32) {
    %c0_i32 = arith.constant 0 : i32
    %c0_i32_0 = arith.constant 0 : i32
    %c0_i32_1 = arith.constant 0 : i32
    return %c0_i32, %c0_i32_0 : i32, i32
  }
  func.func @transform_12(%arg0: i32) -> (i32, i32) {
    %c0_i32 = arith.constant 0 : i32
    %c0_i32_0 = arith.constant 0 : i32
    %c0_i32_1 = arith.constant 0 : i32
    return %c0_i32, %c0_i32_0 : i32, i32
  }
  func.func @transform_13(%arg0: i32) -> (i32, i32) {
    %c0_i32 = arith.constant 0 : i32
    %c0_i32_0 = arith.constant 0 : i32
    %c0_i32_1 = arith.constant 0 : i32
    return %c0_i32, %c0_i32_0 : i32, i32
  }
  func.func @transform_14(%arg0: i32) -> i32 {
    %c0_i32 = arith.constant 0 : i32
    %c0_i32_0 = arith.constant 0 : i32
    return %c0_i32 : i32
  }
  func.func @transform_15(%arg0: i32) -> (i32, i32) {
    %c0_i32 = arith.constant 0 : i32
    %c0_i32_0 = arith.constant 0 : i32
    return %arg0, %c0_i32 : i32, i32
  }
}

</mosaic_0001>

<sc_bundles>
// kernel: kernel.6.cloned.1.call-start
scs
__scs_entry_jumppad:
0x0: {  	(pc) =	sbr.rel $0x88, $3  }
0x1: {  	(tag) =	ssettag $0x0;
	lr =	simm.s32 $0x1  }
0x2: {  	[smem:$0x3F97] =	sst lr;
	_ =	strace $0xD0000000  }
0x3: {  	_ = 	snop  }
0x4: {  	_ = 	snop  }
0x5: {  	_ = 	snop  }
0x6: {  	_ = 	snop  }
0x7: {  	_ = 	snop  }
__scs_overlays_trampoline_lowered:
0x8: {  	[smem:$0x3FA6] =	sst s0  }
0x9: {  	[smem:$0x3FA7] =	sst s1  }
0xa: {  	[smem:$0x3FA8] =	sst s2  }
0xb: {  	[smem:$0x3FA9] =	sst s3  }
0xc: {  	[smem:$0x3FAA] =	sst s4  }
0xd: {  	[smem:$0x3FAB] =	sst s5  }
0xe: {  	[smem:$0x3FAC] =	sst s6  }
0xf: {  	[smem:$0x3FAD] =	sst s7  }
0x10: {  	[smem:$0x3FAE] =	sst s8  }
0x11: {  	[smem:$0x3FAF] =	sst s9;
	s0 =	simm.s32 @!p0 $0x0  }
0x12: {  	s1 =	sld [smem:$0x3F95];
	s0 =	simm.s32 @p0 $0x1  }
0x13: {  	[smem:$0x3FB0] =	sst s0;
	s0 =	simm.s32 @!p1 $0x0  }
0x14: {  	s2 =	sld [smem:$0x3F94];
	s0 =	simm.s32 @p1 $0x1  }
0x15: {  	[smem:$0x3FB1] =	sst s0;
	s0 =	simm.s32 @!p2 $0x0  }
0x16: {  	s3 =	sld [smem:$0x3FDB];
	s0 =	simm.s32 @p2 $0x1  }
0x17: {  	s4 =	simm.s32 $0x1BF5;
	[smem:$0x3FB3] =	sst s0  }
0x18: {  	s0 =	sld [smem:$0x3F96];
	_ =	swait.ge [sflag:s4], $0x0  }
0x19: {  	s7 =	sld [smem:$0x3F97]  }
0x1a: {  	s8 =	sadd.s32 $0xFFFFE003, lr  }
0x1b: {  	s9 =	sadd.s32 $0xFFFFFEF7, lr;
	s5 =	simm.s32 $0xFFFFFFFF;
	p2 =	slt.u32 s8, $0xFFFFF086  }
0x1c: {  	p1 =	slt.u32 s9, $0xF7A;
	s5 =	simm.s32 @!p2 $0x0  }
0x1d: {  	s5 =	simm.s32 @p1 $0x1;
	p0 =	seq.s32 s7, s2  }
0x1e: {  	s7 =	smul.u32 @!p0 $0xF7A, s2;
	p2 =	seq.s32 @!p0 s5, $0x0  }
0x1f: {  	s9 =	smul.u32 $0xF7A, s1;
	s8 =	simm.s32 @!p0 $0x1BF5;
	p2 =	por !p2, p0  }
0x20: {  	[sflag:s8] =	ssyncset.s32 @!p0 $0xFFFFF086;
	s6 =	sadd.s32 @!p0 s3, s7;
	s7 =	simm.s32 @!p0 $0x108  }
0x21: {  	s3 =	sadd.s32 s3, s9;
	s6 =	sadd.s32 @!p0 $0x88, s6;
	s7 =	simm.s32 @p2 $0x1082  }
0x22: {  	[simem:s7], [sflag:s8] =	dma.local @!p0 [hbm:s6], $0xF7A  }
0x23: {  	s9 =	sor.u32 $0xD0000000, s2;
	s6 =	simm.s32 $0x108;
	_ =	swait.ge @!p0 [sflag:s8], $0x0  }
0x24: {  	s3 =	sadd.s32 $0x88, s3;
	s6 =	simm.s32 @!p1 $0x1082;
	[sflag:s4] =	ssyncset.s32 $0xFFFFF086  }
0x25: {  	[simem:s6], [sflag:s4] =	dma.local [hbm:s3], $0xF7A  }
0x26: {  	[smem:$0x3F97] =	sst s1;
	(tag) =	ssettag s2;
	_ =	strace s9  }
0x27: {  	s1 =	sld [smem:$0x3FA7]  }
0x28: {  	s2 =	sld [smem:$0x3FA8]  }
0x29: {  	s4 =	sld [smem:$0x3FAA]  }
0x2a: {  	p0 =	seq.s32 s5, $0x0;
	s5 =	sld [smem:$0x3FAB]  }
0x2b: {  	s6 =	sld [smem:$0x3FAC]  }
0x2c: {  	s7 =	sld [smem:$0x3FAD]  }
0x2d: {  	s3 =	simm.s32 $0x108;
	s8 =	sld [smem:$0x3FAE]  }
0x2e: {  	s3 =	simm.s32 @!p0 $0x1082;
	s9 =	sld [smem:$0x3FAF]  }
0x2f: {  	lr =	sadd.s32 s0, s3;
	s0 =	sld [smem:$0x3FA6]  }
0x30: {  	s3 =	sld [smem:$0x3FA9]  }
0x31: {  	[smem:$0x3FB2] =	sst s10  }
0x32: {  	s10 =	sld [smem:$0x3FB0];
	_ =	sdelay $0x3  }
0x33: {  	p0 =	seq.s32 s10, $0x1;
	s10 =	sld [smem:$0x3FB2];
	_ =	sdelay $0x3  }
0x34: {  	[smem:$0x3FB2] =	sst s10  }
0x35: {  	s10 =	sld [smem:$0x3FB1];
	_ =	sdelay $0x3  }
0x36: {  	p1 =	seq.s32 s10, $0x1;
	s10 =	sld [smem:$0x3FB2];
	_ =	sdelay $0x3  }
0x37: {  	[smem:$0x3FB2] =	sst s10  }
0x38: {  	s10 =	sld [smem:$0x3FB3]  }
0x39: {  	_ = 	snop;
	(pc) =	sbr.ind lr, $3  }
0x3a: {  	_ = 	snop  }
0x3b: {  	_ = 	snop  }
0x3c: {  	p2 =	seq.s32 s10, $0x1;
	s10 =	sld [smem:$0x3FB2]  }
0x3d: {  	_ =	shalt  }
0x3e: {  	_ =	shalt  }
0x3f: {  	_ =	shalt  }
0x40: {  	_ =	shalt  }
0x41: {  	_ =	shalt  }
0x42: {  	_ =	shalt  }
0x43: {  	_ =	shalt  }
0x44: {  	_ =	shalt  }
0x45: {  	_ =	shalt  }
0x46: {  	_ =	shalt  }
0x47: {  	_ =	shalt  }
0x48: {  	_ =	shalt  }
0x49: {  	_ =	shalt  }
0x4a: {  	_ =	shalt  }
0x4b: {  	_ =	shalt  }
0x4c: {  	_ =	shalt  }
0x4d: {  	_ =	shalt  }
0x4e: {  	_ =	shalt  }
0x4f: {  	_ =	shalt  }
0x50: {  	_ =	shalt  }
0x51: {  	_ =	shalt  }
0x52: {  	_ =	shalt  }
0x53: {  	_ =	shalt  }
0x54: {  	_ =	shalt  }
0x55: {  	_ =	shalt  }
0x56: {  	_ =	shalt  }
0x57: {  	_ =	shalt  }
0x58: {  	_ =	shalt  }
0x59: {  	_ =	shalt  }
0x5a: {  	_ =	shalt  }
0x5b: {  	_ =	shalt  }
0x5c: {  	_ =	shalt  }
0x5d: {  	_ =	shalt  }
0x5e: {  	_ =	shalt  }
0x5f: {  	_ =	shalt  }
0x60: {  	_ =	shalt  }
0x61: {  	_ =	shalt  }
0x62: {  	_ =	shalt  }
0x63: {  	_ =	shalt  }
0x64: {  	_ =	shalt  }
0x65: {  	_ =	shalt  }
0x66: {  	_ =	shalt  }
0x67: {  	_ =	shalt  }
0x68: {  	_ =	shalt  }
0x69: {  	_ =	shalt  }
0x6a: {  	_ =	shalt  }
0x6b: {  	_ =	shalt  }
0x6c: {  	_ =	shalt  }
0x6d: {  	_ =	shalt  }
0x6e: {  	_ =	shalt  }
0x6f: {  	_ =	shalt  }
0x70: {  	_ =	shalt  }
0x71: {  	_ =	shalt  }
0x72: {  	_ =	shalt  }
0x73: {  	_ =	shalt  }
0x74: {  	_ =	shalt  }
0x75: {  	_ =	shalt  }
0x76: {  	_ =	shalt  }
0x77: {  	_ =	shalt  }
0x78: {  	_ =	shalt  }
0x79: {  	_ =	shalt  }
0x7a: {  	_ =	shalt  }
0x7b: {  	_ =	shalt  }
0x7c: {  	_ =	shalt  }
0x7d: {  	_ =	shalt  }
0x7e: {  	_ =	shalt  }
0x7f: {  	_ =	shalt  }
0x80: {  	_ =	shalt  }
0x81: {  	_ =	shalt  }
0x82: {  	_ =	shalt  }
0x83: {  	_ =	shalt  }
0x84: {  	_ =	shalt  }
0x85: {  	_ =	shalt  }
0x86: {  	_ =	shalt  }
0x87: {  	_ =	shalt  }
.Lfunc_end0:
.L_simem_size_0:
called_computation_lowered:
.L_overlay_start_0:
0x88: {  	s2 =	sld [smem:$0x3FD9]  }
0x89: {  	s3 =	sld [smem:$0x3FFE];
	_ =	sdelay $0x1  }
0x8a: {  	s1 =	srdreg.scid  }
0x8b: {  	s0 =	sand.u32 $0x1, s1  }
0x8c: {  	s17 =	sshll.u32 s0, $0xA;
	s2 =	sadd.s32 s3, s2  }
0x8d: {  	s2 =	sadd.s32 s2, s17  }
0x8e: {  	[smem:$0x3FBE] =	sst s2  }
0x8f: {  	_ = 	snop  }
0x90: {  	s18 =	sld [smem:$0x3FC9];
	(tm) =	ssettm $0x1  }
0x91: {  	s19 =	sld [smem:$0x3FFB];
	_ =	sdelay $0x3  }
0x92: {  	_ =	strace s19  }
0x93: {  	s2 =	sld [smem:$0x3FFC];
	_ =	sdelay $0x3  }
0x94: {  	_ =	strace s2  }
0x95: {  	s2 =	sld [smem:$0x3FFD];
	_ =	sdelay $0x3  }
0x96: {  	_ =	strace s2  }
0x97: {  	_ =	strace $0x8FFFFFFF  }
0x98: {  	s20 =	sld [smem:$0x3FDB];
	_ =	sdelay $0x1  }
0x99: {  	s4 =	simm.s32 $_scs_section_size  }
0x9a: {  	s5 =	simm.s32 $_size__tile_overlayer_lowered;
	s6 =	simm.s32 $_tile_overlayer_lowered  }
0x9b: {  	s7 =	simm.s32 $0x1BFF;
	s21 =	sshll.u32 s6, $0x1;
	s4 =	sadd.s32 s4, s20  }
0x9c: {  	s22 =	simm.s32 $0x0;
	s5 =	sshll.u32 s5, $0x1;
	s6 =	sadd.s32 s21, s4  }
0x9d: {  	[timem:s22], [sflag:s7] =	dma.local [hbm:s6], s5  }
0x9e: {  	_ =	swait.ge [sflag:s7], s5  }
0x9f: {  	s5 =	ssub.s32 $0x0, s5;
	[sflag:s7] =	ssyncset.done $0x0  }
0xa0: {  	[sflag:s7] =	ssyncadd.s32 s5;
	_ =	sdelay $0x1  }
0xa1: {  	s23 =	simm.s32 $0x1B8B  }
0xa2: {  	_ =	swait.ge [sflag:s23], $0x1  }
0xa3: {  	[sflag:s23] =	ssyncset.done $0x0  }
0xa4: {  	[sflag:s23] =	ssyncadd.s32 $0xFFFFFFFF  }
0xa5: {  	s5 =	sld [smem:$0x0]  }
0xa6: {  	s6 =	sand.u32 $0xFFFFFFFE, s1  }
0xa7: {  	p0 =	sne.s32 s1, s6  }
0xa8: {  	s6 =	sshll.u32 @p0 s6, $0xE  }
0xa9: {  	s6 =	sadd.s32 @p0 $0x11B8D, s6;
	s7 =	sshll.u32 @p0 s5, $0x11  }
0xaa: {  	s6 =	sor.u32 @p0 s7, s6  }
0xab: {  	[sflag:s6] =	ssyncadd.remote.s32 @p0 $0x1;
	_ =	sdelay $0x1  }
0xac: {  	s6 =	simm.s32 @p0 $0x1B8D  }
0xad: {  	_ =	swait.eq @p0 [sflag:s6], $0x1  }
0xae: {  	[sflag:s6] =	ssyncadd.s32 @p0 $0xFFFFFFFF  }
0xaf: {  	s7 =	sshll.u32 @!p0 s1, $0xE  }
0xb0: {  	s7 =	sor.u32 @!p0 $0x4000, s7;
	s6 =	simm.s32 @!p0 $0x1B8D  }
0xb1: {  	s5 =	sshll.u32 @!p0 s5, $0x11;
	s7 =	sadd.s32 @!p0 $0x11B8D, s7;
	_ =	swait.eq @!p0 [sflag:s6], $0x1  }
0xb2: {  	s5 =	sor.u32 @!p0 s5, s7;
	[sflag:s6] =	ssyncadd.s32 @!p0 $0xFFFFFFFF  }
0xb3: {  	s25 =	simm.s32 $0x1B8E;
	s24 =	sld [smem:$0x3FFE];
	[sflag:s5] =	ssyncadd.remote.s32 @!p0 $0x1  }
0xb4: {  	s26 =	simm.s32 $execute0_lowered;
	[smem:$0x3FD2] =	sst s25  }
0xb5: {  	s6 =	sshll.u32 s26, $0x1;
	_ =	strace $0x80000049;
	[dreg:$0x1] =	wrdreg $0xFFFFFFFF  }
0xb6: {  	s28 =	simm.s32 $_size_execute0_lowered;
	s4 =	sadd.s32 s4, s6;
	[dreg:$0x0] =	wrdreg $0x0  }
0xb7: {  	s6 =	sshll.u32 s28, $0x1;
	[dreg:$0x2] =	wrdreg s4  }
0xb8: {  	[dreg:$0x3] =	wrdreg s6  }
0xb9: {  	[dreg:$0x4] =	wrdreg $0xC0  }
0xba: {  	_ =	task [dreg:s22], $0x5FFFF  }
0xbb: {  	[dreg:$0x1] =	wrdreg $0xFFFFFFFF  }
0xbc: {  	[dreg:$0x0] =	wrdreg $0x60  }
0xbd: {  	[dreg:$0x2] =	wrdreg s18  }
0xbe: {  	[dreg:$0x3] =	wrdreg s24  }
0xbf: {  	[dreg:$0x4] =	wrdreg $0x9E000  }
0xc0: {  	[dreg:$0x5] =	wrdreg $0x9  }
0xc1: {  	_ =	task.clear_ibuf [dreg:s22], $0x6FFFF;
	_ =	strace $0x90000049  }
0xc2: {  	s29 =	simm.s32 $0x9;
	_ =	strace $0x8000004B  }
0xc3: {  	_ =	swait.ge [sflag:s29], $0x1  }
0xc4: {  	[sflag:s29] =	ssyncadd.s32 $0xFFFFFFFF  }
0xc5: {  	_ =	strace $0x9000004B  }
0xc6: {  	_ =	sfence  }
0xc7: {  	s30 =	sld [smem:$0x0];
	_ =	sdelay $0x2  }
0xc8: {  	s31 =	sshll.u32 s1, $0xD;
	s1 =	sshrl.u32 s1, $0x2  }
0xc9: {  	s4 =	sand.u32 $0x4000, s31;
	s1 =	sadd.s32 s1, s30  }
0xca: {  	s0 =	sor.u32 s4, s0;
	s1 =	sshll.u32 s1, $0x11  }
0xcb: {  	s0 =	sor.u32 s1, s0  }
0xcc: {  	s0 =	sadd.s32 $0x8F2B, s0  }
0xcd: {  	[sflag:s0] =	ssyncadd.remote.s32 $0x1  }
0xce: {  	_ =	sfence.sel $0xFFFF  }
0xcf: {  	[dreg:$0x0] =	wrdreg $0xFFFFFFFF;
	(pc) =	sbr.abs _section_cstart, $3  }
0xd0: {  	[dreg:$0x1] =	wrdreg $0xFFFFFFFF  }
0xd1: {  	_ =	task.clear_ibuf [dreg:s22], $0x2FFFF;
	_ =	strace $0x9FFFFFFF  }
0xd2: {  	(tm) =	ssettm $0x7FFFFFFF  }
0xd3: {  	_ =	shalt  }
tec
execute0_lowered:
.L_overlay_start_1:
0x0: {  	(tag) =	ssettag $0x1  }
0x1: {  	s1 =	rddreg [dreg:$0x0]  }
0x2: {  	s0 =	rddreg [dreg:$0x1]  }
0x3: {  	s2 =	rddreg [dreg:$0x2];
	s3 =	simm.s32 $0x0;
	s4 =	srdreg.scid  }
0x4: {  	s10 =	stileid.u32;
	s29 =	simm.s32 $0x1E00;
	s30 =	simm.s32 $0x3  }
0x5: {  	s31 =	simm.s32 $0xF00;
	[smem:$0x7FF] =	sst s3;
	s4 =	sand.u32 $0x1, s4  }
0x6: {  	s5 =	sadd.s32 $0x74A00, s0;
	s6 =	sadd.s32 $0x65A00, s0;
	s9 =	smul.u32 $0x50000, s10  }
0x7: {  	s0 =	sadd.s32 $0x83A00, s0;
	s14 =	smul.u32 $0x14000, s10;
	s7 =	ssub.s32 $0x2, s4  }
0x8: {  	p0 =	seq.s32 s4, $0x0;
	s13 =	smul.u32 $0x140000, s4;
	s4 =	sshll.u32 s4, $0x4  }
0x9: {  	_ =	strace $0x8000004A;
	s8 =	sshrl.u32 s7, $0x1;
	s4 =	sor.u32 s10, s4  }
0xa: {  	s19 =	sshrl.u32 s9, $0x2;
	s25 =	sadd.s32 $0x8000, s14;
	s26 =	sadd.s32 $0xC000, s14  }
0xb: {  	s18 =	sadd.s32 $0x10000, s14;
	s12 =	ssub.s32 s7, s8;
	s7 =	simm.s32 $0x76  }
0xc: {  	s10 =	sadd.s32 s19, s2;
	s15 =	sadd.s32 s13, s14;
	s11 =	smul.u32 $0x3C00, s4  }
0xd: {  	s16 =	sadd.s32 s13, s25;
	s17 =	sadd.s32 s13, s26;
	s7 =	simm.s32 @!p0 $0x28  }
0xe: {  	s20 =	sshrl.u32 s15, $0x3;
	s15 =	sadd.s32 $0x4000, s14;
	s21 =	smax.u32 s12, $0x1  }
0xf: {  	s23 =	sadd.s32 $0x4000, s10;
	s24 =	sadd.s32 $0x8000, s10;
	s16 =	sshrl.u32 s16, $0x3  }
0x10: {  	s17 =	sshrl.u32 s17, $0x3;
	s12 =	sadd.s32 s26, s2;
	[dreg:$0x5] =	wrdreg s21  }
0x11: {  	s8 =	sshrl.u32 s7, $0x1;
	s4 =	sadd.s32 s0, s20;
	[dreg:$0x6] =	wrdreg s23  }
0x12: {  	s22 =	sadd.s32 s13, s15;
	[dreg:$0x7] =	wrdreg s24;
	s13 =	sadd.s32 s13, s18  }
0x13: {  	s16 =	sadd.s32 s0, s16;
	s19 =	sadd.s32 s0, s17;
	s20 =	sadd.s32 $0xC000, s10  }
0x14: {  	s21 =	sadd.s32 s14, s2;
	s23 =	sadd.s32 s18, s2;
	[dreg:$0x4] =	wrdreg s4  }
0x15: {  	s24 =	sshrl.u32 s12, $0x3;
	s9 =	sadd.s32 $0xFFFFFFFF, s8;
	[dreg:$0x9] =	wrdreg s16  }
0x16: {  	s4 =	sshrl.u32 s22, $0x3;
	[dreg:$0xa] =	wrdreg s19;
	s13 =	sshrl.u32 s13, $0x3  }
0x17: {  	[dreg:$0xc] =	wrdreg s20;
	s22 =	sadd.s32 s15, s2;
	s4 =	sadd.s32 s0, s4  }
.Ltmp0:
0x18: {  	s0 =	sadd.s32 s0, s13;
	[dreg:$0x8] =	wrdreg s4;
	(pc) =	sbr.rel .LBB2_1-.Ltmp0, $4  }
0x19: {  	s28 =	sadd.s32 $0xFFFFFFF2, s8;
	[dreg:$0xb] =	wrdreg s0;
	s0 =	sshrl.u32 s21, $0x3  }
0x1a: {  	s4 =	sadd.s32 s25, s2;
	s25 =	sshrl.u32 s22, $0x3;
	[dreg:$0xd] =	wrdreg s0  }
0x1b: {  	[dreg:$0xe] =	wrdreg s25;
	s26 =	sshrl.u32 s4, $0x3;
	s25 =	sshrl.u32 s23, $0x3  }
0x1c: {  	v0 =	vimm.f32 $0.0e+00;
	s0 =	simm.s32 $0x80;
	[dreg:$0xf] =	wrdreg s26;
	s26 =	sadd.s32 $0x10000, s10  }
.LBB2_9:
0x1d: {  	s4 =	stileid.u32;
	[bflag:$0x0] =	sbarrier.arrive $0xFFFF  }
0x1e: {  	s4 =	sshll.u32 s4, $0x6;
	s12 =	rddreg [dreg:$0x4]  }
0x1f: {  	s13 =	rddreg [dreg:$0xd];
	s4 =	sor.u32 $0x1C03, s4  }
0x20: {  	[hbm:s12], [sflag:s4] =	dma.local [spmem:s13], $0x800  }
0x21: {  	_ =	swait.ge [sflag:s30], $0x800  }
0x22: {  	[sflag:s30] =	ssyncset.done $0x0;
	s17 =	rddreg [dreg:$0x8]  }
0x23: {  	s18 =	rddreg [dreg:$0xe];
	[sflag:s30] =	ssyncadd.s32 $0xFFFFF800  }
0x24: {  	[hbm:s17], [sflag:s4] =	dma.local [spmem:s18], $0x800  }
0x25: {  	_ =	swait.ge [sflag:s30], $0x800  }
0x26: {  	[sflag:s30] =	ssyncset.done $0x0;
	s19 =	rddreg [dreg:$0x9]  }
0x27: {  	s20 =	rddreg [dreg:$0xf];
	[sflag:s30] =	ssyncadd.s32 $0xFFFFF800  }
0x28: {  	[hbm:s19], [sflag:s4] =	dma.local [spmem:s20], $0x800  }
0x29: {  	_ =	swait.ge [sflag:s30], $0x800  }
0x2a: {  	[sflag:s30] =	ssyncset.done $0x0  }
0x2b: {  	s21 =	rddreg [dreg:$0xa];
	[sflag:s30] =	ssyncadd.s32 $0xFFFFF800  }
0x2c: {  	[hbm:s21], [sflag:s4] =	dma.local [spmem:s24], $0x800  }
0x2d: {  	_ =	swait.ge [sflag:s30], $0x800  }
0x2e: {  	[sflag:s30] =	ssyncset.done $0x0  }
0x2f: {  	s22 =	rddreg [dreg:$0xb];
	[sflag:s30] =	ssyncadd.s32 $0xFFFFF800  }
0x30: {  	[hbm:s22], [sflag:s4] =	dma.local [spmem:s25], $0x800  }
0x31: {  	_ =	swait.ge [sflag:s30], $0x800  }
0x32: {  	s3 =	sadd.s32 $0x1, s3;
	s23 =	rddreg [dreg:$0x5]  }
0x33: {  	p0 =	sne.s32 s3, s23  }
.Ltmp1:
0x34: {  	_ = 	snop;
	(pc) =	sbr.rel @!p0 .LBB2_10-.Ltmp1, $3  }
0x35: {  	_ =	sdelay $0x1  }
0x36: {  	[sflag:s30] =	ssyncset.done $0x0  }
0x37: {  	[sflag:s30] =	ssyncadd.s32 $0xFFFFF800  }
.LBB2_1:
0x38: {  	s4 =	simm.s32 $0x0;
	s12 =	simm.s32 $0x200  }
.LBB2_2:
0x39: {  	p0 =	sne.s32 s12, $0xFE00;
	[tilespmem:s4+$0x1E70] =	vst v0  }
0x3a: {  	[tilespmem:s4+$0x1E00] =	vst v0  }
0x3b: {  	[tilespmem:s4+$0x1E10] =	vst v0  }
.Ltmp2:
0x3c: {  	[tilespmem:s4+$0x1E20] =	vst v0;
	(pc) =	sbr.rel @p0 .LBB2_2-.Ltmp2, $4  }
0x3d: {  	[tilespmem:s4+$0x1E30] =	vst v0  }
0x3e: {  	[tilespmem:s4+$0x1E40] =	vst v0  }
0x3f: {  	[tilespmem:s4+$0x1E50] =	vst v0  }
0x40: {  	[tilespmem:s4+$0x1E60] =	vst v0;
	s4 =	sshra.s32 s12, $0x2;
	s12 =	sadd.s32 $0x200, s12  }
0x41: {  	[tilespmem:s4+$0x1E70] =	vst v0  }
0x42: {  	[tilespmem:s4+$0x1E00] =	vst v0  }
0x43: {  	[tilespmem:s4+$0x1E10] =	vst v0  }
0x44: {  	[tilespmem:s4+$0x1E20] =	vst v0  }
0x45: {  	[tilespmem:s4+$0x1E30] =	vst v0  }
0x46: {  	[tilespmem:s4+$0x1E40] =	vst v0  }
0x47: {  	[tilespmem:s4+$0x1E50] =	vst v0  }
0x48: {  	[tilespmem:s4+$0x1E60] =	vst v0  }
0x49: {  	[spmem:s10] =	stream.linear.scatter [tilespmem:s29], [sflag:$0x3], $0x4000, $0x38;
	[tilespmem:$0x1DE00] =	vst v63  }
0x4a: {  	_ =	swait.ge [sflag:s30], $0x4000  }
0x4b: {  	[sflag:s30] =	ssyncset.done $0x0  }
0x4c: {  	s21 =	rddreg [dreg:$0x6];
	[sflag:s30] =	ssyncadd.s32 $0xFFFFC000  }
0x4d: {  	[spmem:s21] =	stream.linear.scatter [tilespmem:s29], [sflag:$0x3], $0x4000, $0x38;
	[tilespmem:$0x1DE00] =	vst v63  }
0x4e: {  	_ =	swait.ge [sflag:s30], $0x4000  }
0x4f: {  	[sflag:s30] =	ssyncset.done $0x0  }
0x50: {  	s22 =	rddreg [dreg:$0x7];
	[sflag:s30] =	ssyncadd.s32 $0xFFFFC000  }
0x51: {  	[spmem:s22] =	stream.linear.scatter [tilespmem:s29], [sflag:$0x3], $0x4000, $0x38;
	[tilespmem:$0x1DE00] =	vst v63  }
0x52: {  	_ =	swait.ge [sflag:s30], $0x4000  }
0x53: {  	[sflag:s30] =	ssyncset.done $0x0  }
0x54: {  	s23 =	rddreg [dreg:$0xc];
	[sflag:s30] =	ssyncadd.s32 $0xFFFFC000  }
0x55: {  	[spmem:s23] =	stream.linear.scatter [tilespmem:s29], [sflag:$0x3], $0x4000, $0x38;
	[tilespmem:$0x1DE00] =	vst v63  }
0x56: {  	_ =	swait.ge [sflag:s30], $0x4000  }
0x57: {  	[sflag:s30] =	ssyncset.done $0x0  }
0x58: {  	[sflag:s30] =	ssyncadd.s32 $0xFFFFC000  }
0x59: {  	[spmem:s26] =	stream.linear.scatter [tilespmem:s29], [sflag:$0x3], $0x4000, $0x38;
	[tilespmem:$0x1DE00] =	vst v63  }
.Ltmp3:
0x5a: {  	_ =	swait.ge [sflag:s30], $0x4000;
	(pc) =	sbr.rel .LBB2_4-.Ltmp3, $4  }
0x5b: {  	[sflag:s30] =	ssyncset.done $0x0  }
0x5c: {  	[sflag:s30] =	ssyncadd.s32 $0xFFFFC000  }
0x5d: {  	[bflag:$0x0] =	sbarrier.arrive $0xFFFF  }
0x5e: {  	s4 =	simm.s32 $0x0;
	s12 =	simm.s32 $0x0  }
.LBB2_8:
0x5f: {  	s12 =	sadd.s32 $0x1, s12  }
0x60: {  	p0 =	sne.s32 s12, $0x4  }
.Ltmp4:
0x61: {  	_ = 	snop;
	(pc) =	sbr.rel @!p0 .LBB2_9-.Ltmp4, $2  }
0x62: {  	_ =	sdelay $0x2  }
0x63: {  	s4 =	sadd.s32 $0xF, s4  }
.LBB2_4:
0x64: {  	s13 =	smul.u32 $0x1E, s12;
	_ =	sdelay $0x1  }
0x65: {  	p0 =	sge.u32 s13, s7  }
.Ltmp5:
0x66: {  	_ = 	snop;
	(pc) =	sbr.rel @p0 .LBB2_8-.Ltmp5, $1  }
0x67: {  	_ =	sdelay $0x3  }
0x68: {  	s13 =	smul.u32 $0xF00, s12;
	_ =	sdelay $0x1  }
0x69: {  	s13 =	sadd.s32 s11, s13  }
0x6a: {  	s13 =	sshrl.u32 s13, $0x3  }
0x6b: {  	s15 =	simm.s32 $0x0;
	s14 =	sadd.s32 s5, s13  }
0x6c: {  	[tilespmem:s15], [sflag:$0x3] =	stream.linear.gather [hbm4b:s14+s15], $0xF00, $0x38;
	[tilespmem:$0x1DE00] =	vst v63  }
0x6d: {  	_ =	swait.ge [sflag:s30], $0xF00  }
0x6e: {  	[sflag:s30] =	ssyncset.done $0x0  }
0x6f: {  	s13 =	sadd.s32 s6, s13;
	[sflag:s30] =	ssyncadd.s32 $0xFFFFF100  }
0x70: {  	[tilespmem:s31], [sflag:$0x3] =	stream.linear.gather [hbm4b:s13+s15], $0xF00, $0x38;
	[tilespmem:$0x1DE00] =	vst v63  }
0x71: {  	_ =	swait.ge [sflag:s30], $0xF00  }
0x72: {  	p0 =	sge.u32 s4, s8;
	[sflag:s30] =	ssyncset.done $0x0  }
0x73: {  	s16 =	simm.s32 @!p0 $0x1;
	[sflag:s30] =	ssyncadd.s32 $0xFFFFF100  }
0x74: {  	[tilespmem:s29], [sflag:$0x1] =	stream.indirect.gather [hbm4b:s1+s0], $0x80, s15, s0, $0xb8;
	[tilespmem:$0x1DE00] =	vst v63  }
0x75: {  	s14 =	simm.s32 @!p0 $0x80;
	s13 =	simm.s32 @!p0 $0x80;
	s15 =	simm.s32 @!p0 $0x5E00  }
0x76: {  	[tilespmem:s15], [sflag:$0x2] =	stream.indirect.gather @!p0 [hbm4b:s1+s14], $0x80, s13, s14, $0xb8;
	[tilespmem:$0x1DE00] =	vst v63  }
0x77: {  	_ =	swait.ge @!p0 [sflag:s16], $0x4000  }
0x78: {  	p1 =	sge.u32 @!p0 s4, s9;
	s17 =	simm.s32 @!p0 $0x1E00;
	[sflag:s16] =	ssyncset.done @!p0 $0x0  }
0x79: {  	s13 =	simm.s32 @!p0 $0x4;
	[sflag:s16] =	ssyncadd.s32 @!p0 $0xFFFFC000;
	s16 =	simm.s32 @!p0 $0xF00  }
0x7a: {  	[spmem:s2] =	stream.indirect.scatter.add.f32 @!p0 [tilespmem:s17], [sflag:$0x4], $0x80, s16, s14, $0xb8;
	[tilespmem:$0x1DE00] =	vst v63  }
0x7b: {  	p1 =	por p1, p0;
	_ =	swait.ge @!p0 [sflag:s13], $0x4000  }
0x7c: {  	s18 =	simm.s32 @!p0 $0x2;
	s16 =	simm.s32 @!p1 $0x100;
	[sflag:s13] =	ssyncset.done @!p0 $0x0  }
0x7d: {  	s17 =	simm.s32 @!p1 $0x1E00;
	[sflag:s13] =	ssyncadd.s32 @!p0 $0xFFFFC000;
	s13 =	simm.s32 @!p1 $0x80  }
0x7e: {  	[tilespmem:s17], [sflag:$0x1] =	stream.indirect.gather @!p1 [hbm4b:s1+s13], $0x80, s16, s13, $0xb8;
	[tilespmem:$0x1DE00] =	vst v63  }
0x7f: {  	p1 =	por p0, p0;
	_ =	swait.ge @!p0 [sflag:s18], $0x4000  }
0x80: {  	s13 =	smul.u32 $0xF, s12;
	s17 =	simm.s32 $0x400;
	[sflag:s18] =	ssyncset.done @!p1 $0x0  }
0x81: {  	s16 =	sadd.s32 $0x1, s4;
	[sflag:s18] =	ssyncadd.s32 @!p1 $0xFFFFC000;
	s18 =	simm.s32 @!p1 $0xF80  }
0x82: {  	[spmem:s2] =	stream.indirect.scatter.add.f32 @!p1 [tilespmem:s15], [sflag:$0x3], $0x80, s18, s14, $0xb8;
	[tilespmem:$0x1DE00] =	vst v63  }
0x83: {  	s19 =	simm.s32 @!p1 $0x3;
	p0 =	sge.u32 s16, s8;
	s18 =	simm.s32 $0x800  }
0x84: {  	s15 =	simm.s32 @!p0 $0x100;
	s14 =	simm.s32 @!p0 $0x80;
	_ =	swait.ge @!p1 [sflag:s19], $0x4000  }
.LBB2_6:
0x85: {  	s20 =	sadd.s32 @!p0 $0x80, s15  }
0x86: {  	s21 =	simm.s32 @!p0 $0x5E00;
	[sflag:s19] =	ssyncset.done @!p1 $0x0;
	s22 =	smov.u32 s18  }
0x87: {  	s23 =	simm.s32 @!p0 $0x1;
	p2 =	sge.u32 @!p0 s16, s9;
	[sflag:s19] =	ssyncadd.s32 @!p1 $0xFFFFC000  }
0x88: {  	[tilespmem:s21], [sflag:$0x2] =	stream.indirect.gather @!p0 [hbm4b:s1+s14], $0x80, s20, s14, $0xb8;
	[tilespmem:$0x1DE00] =	vst v63  }
0x89: {  	s18 =	sadd.s32 $0x400, s18;
	p1 =	por p2, p0;
	_ =	swait.ge @!p0 [sflag:s23], $0x4000  }
0x8a: {  	s19 =	simm.s32 @!p0 $0x4;
	s17 =	sshra.s32 @!p1 s17, $0x2;
	[sflag:s23] =	ssyncset.done @!p0 $0x0  }
0x8b: {  	s20 =	sadd.s32 @!p0 $0xF00, s15;
	[sflag:s23] =	ssyncadd.s32 @!p0 $0xFFFFC000;
	s23 =	simm.s32 @!p0 $0x1E00  }
0x8c: {  	[spmem:s2] =	stream.indirect.scatter.add.f32 @!p0 [tilespmem:s23], [sflag:$0x4], $0x80, s20, s14, $0xb8;
	[tilespmem:$0x1DE00] =	vst v63  }
0x8d: {  	p2 =	sne.s32 s18, $0x3800;
	s20 =	sadd.s32 @!p1 $0x100, s17;
	_ =	swait.ge @!p0 [sflag:s19], $0x4000  }
0x8e: {  	s23 =	simm.s32 @!p0 $0x2;
	s17 =	smov.u32 s22;
	[sflag:s19] =	ssyncset.done @!p0 $0x0  }
0x8f: {  	s22 =	simm.s32 @!p1 $0x1E00;
	[sflag:s19] =	ssyncadd.s32 @!p0 $0xFFFFC000;
	s19 =	simm.s32 @!p1 $0x80  }
0x90: {  	[tilespmem:s22], [sflag:$0x1] =	stream.indirect.gather @!p1 [hbm4b:s1+s19], $0x80, s20, s19, $0xb8;
	[tilespmem:$0x1DE00] =	vst v63  }
.Ltmp6:
0x91: {  	p1 =	por p0, p0;
	_ =	swait.ge @!p0 [sflag:s23], $0x4000;
	(pc) =	sbr.rel @p2 .LBB2_6-.Ltmp6, $4  }
0x92: {  	s16 =	sadd.s32 $0x1, s16;
	s19 =	simm.s32 @!p1 $0x3;
	[sflag:s23] =	ssyncset.done @!p1 $0x0  }
0x93: {  	p0 =	sge.u32 s16, s8;
	s15 =	sadd.s32 @!p1 $0xF80, s15;
	[sflag:s23] =	ssyncadd.s32 @!p1 $0xFFFFC000  }
0x94: {  	[spmem:s2] =	stream.indirect.scatter.add.f32 @!p1 [tilespmem:s21], [sflag:$0x3], $0x80, s15, s14, $0xb8;
	[tilespmem:$0x1DE00] =	vst v63  }
0x95: {  	s15 =	sshra.s32 @!p0 s17, $0x2;
	s14 =	simm.s32 @!p0 $0x80;
	_ =	swait.ge @!p1 [sflag:s19], $0x4000  }
0x96: {  	s18 =	sadd.s32 @!p0 $0x80, s15;
	[sflag:s19] =	ssyncset.done @!p1 $0x0  }
0x97: {  	s20 =	simm.s32 @!p0 $0x5E00;
	s21 =	simm.s32 @!p0 $0x1;
	[sflag:s19] =	ssyncadd.s32 @!p1 $0xFFFFC000  }
0x98: {  	[tilespmem:s20], [sflag:$0x2] =	stream.indirect.gather @!p0 [hbm4b:s1+s14], $0x80, s18, s14, $0xb8;
	[tilespmem:$0x1DE00] =	vst v63  }
0x99: {  	p1 =	sge.u32 @!p0 s16, s9;
	_ =	swait.ge @!p0 [sflag:s21], $0x4000  }
0x9a: {  	s16 =	simm.s32 @!p0 $0x4;
	s19 =	simm.s32 @!p0 $0x1E00;
	[sflag:s21] =	ssyncset.done @!p0 $0x0  }
0x9b: {  	p1 =	por p1, p0;
	s18 =	sadd.s32 @!p0 $0xF00, s15;
	[sflag:s21] =	ssyncadd.s32 @!p0 $0xFFFFC000  }
0x9c: {  	[spmem:s2] =	stream.indirect.scatter.add.f32 @!p0 [tilespmem:s19], [sflag:$0x4], $0x80, s18, s14, $0xb8;
	[tilespmem:$0x1DE00] =	vst v63  }
0x9d: {  	s17 =	sshra.s32 @!p1 s17, $0x2;
	_ =	swait.ge @!p0 [sflag:s16], $0x4000  }
0x9e: {  	s17 =	sadd.s32 @!p1 $0x100, s17;
	s18 =	simm.s32 @!p0 $0x2;
	[sflag:s16] =	ssyncset.done @!p0 $0x0  }
0x9f: {  	s19 =	simm.s32 @!p1 $0x1E00;
	[sflag:s16] =	ssyncadd.s32 @!p0 $0xFFFFC000;
	s16 =	simm.s32 @!p1 $0x80  }
0xa0: {  	[tilespmem:s19], [sflag:$0x1] =	stream.indirect.gather @!p1 [hbm4b:s1+s16], $0x80, s17, s16, $0xb8;
	[tilespmem:$0x1DE00] =	vst v63  }
0xa1: {  	_ =	swait.ge @!p0 [sflag:s18], $0x4000;
	p0 =	por p0, p0  }
0xa2: {  	[sflag:s18] =	ssyncset.done @!p0 $0x0  }
0xa3: {  	s16 =	simm.s32 @!p0 $0x3;
	s15 =	sadd.s32 @!p0 $0xF80, s15;
	[sflag:s18] =	ssyncadd.s32 @!p0 $0xFFFFC000  }
0xa4: {  	[spmem:s2] =	stream.indirect.scatter.add.f32 @!p0 [tilespmem:s20], [sflag:$0x3], $0x80, s15, s14, $0xb8;
	[tilespmem:$0x1DE00] =	vst v63  }
0xa5: {  	_ =	swait.ge @!p0 [sflag:s16], $0x4000  }
0xa6: {  	[sflag:s16] =	ssyncset.done @!p0 $0x0  }
0xa7: {  	[sflag:s16] =	ssyncadd.s32 @!p0 $0xFFFFC000;
	p0 =	sge.u32 s13, s28  }
0xa8: {  	s13 =	simm.s32 @!p0 $0x80;
	s14 =	simm.s32 @!p0 $0xE80;
	s15 =	simm.s32 @!p0 $0x5E00  }
0xa9: {  	[tilespmem:s15], [sflag:$0x2] =	stream.indirect.gather @!p0 [hbm4b:s1+s13], $0x80, s14, s13, $0xb8;
	[tilespmem:$0x1DE00] =	vst v63  }
0xaa: {  	s14 =	simm.s32 @!p0 $0x1  }
0xab: {  	_ =	swait.ge @!p0 [sflag:s14], $0x4000  }
0xac: {  	[sflag:s14] =	ssyncset.done @!p0 $0x0  }
0xad: {  	s16 =	simm.s32 @!p0 $0x1E00;
	[sflag:s14] =	ssyncadd.s32 @!p0 $0xFFFFC000;
	s14 =	simm.s32 @!p0 $0x1D00  }
0xae: {  	[spmem:s2] =	stream.indirect.scatter.add.f32 @!p0 [tilespmem:s16], [sflag:$0x4], $0x80, s14, s13, $0xb8;
	[tilespmem:$0x1DE00] =	vst v63  }
0xaf: {  	s14 =	simm.s32 @!p0 $0x4  }
0xb0: {  	_ =	swait.ge @!p0 [sflag:s14], $0x4000  }
0xb1: {  	[sflag:s14] =	ssyncset.done @!p0 $0x0  }
0xb2: {  	[sflag:s14] =	ssyncadd.s32 @!p0 $0xFFFFC000;
	s14 =	simm.s32 @!p0 $0x2  }
0xb3: {  	_ =	swait.ge @!p0 [sflag:s14], $0x4000  }
0xb4: {  	[sflag:s14] =	ssyncset.done @!p0 $0x0  }
0xb5: {  	[sflag:s14] =	ssyncadd.s32 @!p0 $0xFFFFC000;
	s14 =	simm.s32 @!p0 $0x1D80  }
0xb6: {  	[spmem:s2] =	stream.indirect.scatter.add.f32 @!p0 [tilespmem:s15], [sflag:$0x3], $0x80, s14, s13, $0xb8;
	[tilespmem:$0x1DE00] =	vst v63  }
.Ltmp7:
0xb7: {  	_ = 	snop;
	(pc) =	sbr.rel .LBB2_8-.Ltmp7, $4  }
0xb8: {  	s13 =	simm.s32 @!p0 $0x3  }
0xb9: {  	_ =	swait.ge @!p0 [sflag:s13], $0x4000  }
0xba: {  	[sflag:s13] =	ssyncset.done @!p0 $0x0  }
0xbb: {  	[sflag:s13] =	ssyncadd.s32 @!p0 $0xFFFFC000  }
.LBB2_10:
0xbc: {  	_ =	sfence.sel $0x180000  }
0xbd: {  	[bflag:$0x0] =	sbarrier.arrive $0xFFFF  }
0xbe: {  	_ =	strace $0x9000004A  }
0xbf: {  	s0 =	stileid.u32;
	[bflag:$0x2] =	sbarrier.arrive $0xFFFF  }
0xc0: {  	p0 =	sne.s32 s0, $0x0;
	s0 =	rddreg [dreg:$0x3]  }
0xc1: {  	s0 =	sadd.s32 @!p0 $0x100000, s0  }
0xc2: {  	[sflag:s0] =	ssyncadd.tile.s32 @!p0 $0x1;
	_ =	shalt  }
.Lfunc_end2:
_tile_overlayer_lowered:
.L_overlay_start_2:
0xc3: {  	(tag) =	ssettag $0x2  }
0xc4: {  	s0 =	rddreg [dreg:$0x0];
	s2 =	stileid.u32  }
0xc5: {  	s1 =	rddreg [dreg:$0x1];
	p0 =	sne.s32 s2, $0x0  }
0xc6: {  	s3 =	rddreg [dreg:$0x2];
	[bflag:$0x3] =	sbarrier.arrive $0xFFFF;
	s2 =	simm.s32 @!p0 $0x1C03  }
0xc7: {  	[timem:s3], [sflag:s2] =	dma.local @!p0 [hbm:s0], s1  }
0xc8: {  	s0 =	simm.s32 @!p0 $0x3  }
0xc9: {  	_ =	swait.ge @!p0 [sflag:s0], s1  }
0xca: {  	s1 =	ssub.s32 @!p0 $0x0, s1;
	[sflag:s0] =	ssyncset.done @!p0 $0x0  }
0xcb: {  	[sflag:s0] =	ssyncadd.s32 @!p0 s1  }
0xcc: {  	[bflag:$0x3] =	sbarrier.arrive $0xFFFF  }
0xcd: {  	_ =	shalt  }

// kernel: kernel.9.cloned.1.call-start
scs
__scs_entry_jumppad:
0x0: {  	(pc) =	sbr.rel $0x88, $3  }
0x1: {  	(tag) =	ssettag $0x0;
	lr =	simm.s32 $0x1  }
0x2: {  	[smem:$0x3F97] =	sst lr;
	_ =	strace $0xD0000000  }
0x3: {  	_ = 	snop  }
0x4: {  	_ = 	snop  }
0x5: {  	_ = 	snop  }
0x6: {  	_ = 	snop  }
0x7: {  	_ = 	snop  }
__scs_overlays_trampoline_lowered:
0x8: {  	[smem:$0x3FA6] =	sst s0  }
0x9: {  	[smem:$0x3FA7] =	sst s1  }
0xa: {  	[smem:$0x3FA8] =	sst s2  }
0xb: {  	[smem:$0x3FA9] =	sst s3  }
0xc: {  	[smem:$0x3FAA] =	sst s4  }
0xd: {  	[smem:$0x3FAB] =	sst s5  }
0xe: {  	[smem:$0x3FAC] =	sst s6  }
0xf: {  	[smem:$0x3FAD] =	sst s7  }
0x10: {  	[smem:$0x3FAE] =	sst s8  }
0x11: {  	[smem:$0x3FAF] =	sst s9;
	s0 =	simm.s32 @!p0 $0x0  }
0x12: {  	s1 =	sld [smem:$0x3F95];
	s0 =	simm.s32 @p0 $0x1  }
0x13: {  	[smem:$0x3FB0] =	sst s0;
	s0 =	simm.s32 @!p1 $0x0  }
0x14: {  	s2 =	sld [smem:$0x3F94];
	s0 =	simm.s32 @p1 $0x1  }
0x15: {  	[smem:$0x3FB1] =	sst s0;
	s0 =	simm.s32 @!p2 $0x0  }
0x16: {  	s3 =	sld [smem:$0x3FDB];
	s0 =	simm.s32 @p2 $0x1  }
0x17: {  	s4 =	simm.s32 $0x1BF5;
	[smem:$0x3FB3] =	sst s0  }
0x18: {  	s0 =	sld [smem:$0x3F96];
	_ =	swait.ge [sflag:s4], $0x0  }
0x19: {  	s7 =	sld [smem:$0x3F97]  }
0x1a: {  	s8 =	sadd.s32 $0xFFFFE003, lr  }
0x1b: {  	s9 =	sadd.s32 $0xFFFFFEF7, lr;
	s5 =	simm.s32 $0xFFFFFFFF;
	p2 =	slt.u32 s8, $0xFFFFF086  }
0x1c: {  	p1 =	slt.u32 s9, $0xF7A;
	s5 =	simm.s32 @!p2 $0x0  }
0x1d: {  	s5 =	simm.s32 @p1 $0x1;
	p0 =	seq.s32 s7, s2  }
0x1e: {  	s7 =	smul.u32 @!p0 $0xF7A, s2;
	p2 =	seq.s32 @!p0 s5, $0x0  }
0x1f: {  	s9 =	smul.u32 $0xF7A, s1;
	s8 =	simm.s32 @!p0 $0x1BF5;
	p2 =	por !p2, p0  }
0x20: {  	[sflag:s8] =	ssyncset.s32 @!p0 $0xFFFFF086;
	s6 =	sadd.s32 @!p0 s3, s7;
	s7 =	simm.s32 @!p0 $0x108  }
0x21: {  	s3 =	sadd.s32 s3, s9;
	s6 =	sadd.s32 @!p0 $0x88, s6;
	s7 =	simm.s32 @p2 $0x1082  }
0x22: {  	[simem:s7], [sflag:s8] =	dma.local @!p0 [hbm:s6], $0xF7A  }
0x23: {  	s9 =	sor.u32 $0xD0000000, s2;
	s6 =	simm.s32 $0x108;
	_ =	swait.ge @!p0 [sflag:s8], $0x0  }
0x24: {  	s3 =	sadd.s32 $0x88, s3;
	s6 =	simm.s32 @!p1 $0x1082;
	[sflag:s4] =	ssyncset.s32 $0xFFFFF086  }
0x25: {  	[simem:s6], [sflag:s4] =	dma.local [hbm:s3], $0xF7A  }
0x26: {  	[smem:$0x3F97] =	sst s1;
	(tag) =	ssettag s2;
	_ =	strace s9  }
0x27: {  	s1 =	sld [smem:$0x3FA7]  }
0x28: {  	s2 =	sld [smem:$0x3FA8]  }
0x29: {  	s4 =	sld [smem:$0x3FAA]  }
0x2a: {  	p0 =	seq.s32 s5, $0x0;
	s5 =	sld [smem:$0x3FAB]  }
0x2b: {  	s6 =	sld [smem:$0x3FAC]  }
0x2c: {  	s7 =	sld [smem:$0x3FAD]  }
0x2d: {  	s3 =	simm.s32 $0x108;
	s8 =	sld [smem:$0x3FAE]  }
0x2e: {  	s3 =	simm.s32 @!p0 $0x1082;
	s9 =	sld [smem:$0x3FAF]  }
0x2f: {  	lr =	sadd.s32 s0, s3;
	s0 =	sld [smem:$0x3FA6]  }
0x30: {  	s3 =	sld [smem:$0x3FA9]  }
0x31: {  	[smem:$0x3FB2] =	sst s10  }
0x32: {  	s10 =	sld [smem:$0x3FB0];
	_ =	sdelay $0x3  }
0x33: {  	p0 =	seq.s32 s10, $0x1;
	s10 =	sld [smem:$0x3FB2];
	_ =	sdelay $0x3  }
0x34: {  	[smem:$0x3FB2] =	sst s10  }
0x35: {  	s10 =	sld [smem:$0x3FB1];
	_ =	sdelay $0x3  }
0x36: {  	p1 =	seq.s32 s10, $0x1;
	s10 =	sld [smem:$0x3FB2];
	_ =	sdelay $0x3  }
0x37: {  	[smem:$0x3FB2] =	sst s10  }
0x38: {  	s10 =	sld [smem:$0x3FB3]  }
0x39: {  	_ = 	snop;
	(pc) =	sbr.ind lr, $3  }
0x3a: {  	_ = 	snop  }
0x3b: {  	_ = 	snop  }
0x3c: {  	p2 =	seq.s32 s10, $0x1;
	s10 =	sld [smem:$0x3FB2]  }
0x3d: {  	_ =	shalt  }
0x3e: {  	_ =	shalt  }
0x3f: {  	_ =	shalt  }
0x40: {  	_ =	shalt  }
0x41: {  	_ =	shalt  }
0x42: {  	_ =	shalt  }
0x43: {  	_ =	shalt  }
0x44: {  	_ =	shalt  }
0x45: {  	_ =	shalt  }
0x46: {  	_ =	shalt  }
0x47: {  	_ =	shalt  }
0x48: {  	_ =	shalt  }
0x49: {  	_ =	shalt  }
0x4a: {  	_ =	shalt  }
0x4b: {  	_ =	shalt  }
0x4c: {  	_ =	shalt  }
0x4d: {  	_ =	shalt  }
0x4e: {  	_ =	shalt  }
0x4f: {  	_ =	shalt  }
0x50: {  	_ =	shalt  }
0x51: {  	_ =	shalt  }
0x52: {  	_ =	shalt  }
0x53: {  	_ =	shalt  }
0x54: {  	_ =	shalt  }
0x55: {  	_ =	shalt  }
0x56: {  	_ =	shalt  }
0x57: {  	_ =	shalt  }
0x58: {  	_ =	shalt  }
0x59: {  	_ =	shalt  }
0x5a: {  	_ =	shalt  }
0x5b: {  	_ =	shalt  }
0x5c: {  	_ =	shalt  }
0x5d: {  	_ =	shalt  }
0x5e: {  	_ =	shalt  }
0x5f: {  	_ =	shalt  }
0x60: {  	_ =	shalt  }
0x61: {  	_ =	shalt  }
0x62: {  	_ =	shalt  }
0x63: {  	_ =	shalt  }
0x64: {  	_ =	shalt  }
0x65: {  	_ =	shalt  }
0x66: {  	_ =	shalt  }
0x67: {  	_ =	shalt  }
0x68: {  	_ =	shalt  }
0x69: {  	_ =	shalt  }
0x6a: {  	_ =	shalt  }
0x6b: {  	_ =	shalt  }
0x6c: {  	_ =	shalt  }
0x6d: {  	_ =	shalt  }
0x6e: {  	_ =	shalt  }
0x6f: {  	_ =	shalt  }
0x70: {  	_ =	shalt  }
0x71: {  	_ =	shalt  }
0x72: {  	_ =	shalt  }
0x73: {  	_ =	shalt  }
0x74: {  	_ =	shalt  }
0x75: {  	_ =	shalt  }
0x76: {  	_ =	shalt  }
0x77: {  	_ =	shalt  }
0x78: {  	_ =	shalt  }
0x79: {  	_ =	shalt  }
0x7a: {  	_ =	shalt  }
0x7b: {  	_ =	shalt  }
0x7c: {  	_ =	shalt  }
0x7d: {  	_ =	shalt  }
0x7e: {  	_ =	shalt  }
0x7f: {  	_ =	shalt  }
0x80: {  	_ =	shalt  }
0x81: {  	_ =	shalt  }
0x82: {  	_ =	shalt  }
0x83: {  	_ =	shalt  }
0x84: {  	_ =	shalt  }
0x85: {  	_ =	shalt  }
0x86: {  	_ =	shalt  }
0x87: {  	_ =	shalt  }
.Lfunc_end0:
.L_simem_size_0:
called_computation.1_lowered:
.L_overlay_start_0:
0x88: {  	s2 =	sld [smem:$0x3FD9]  }
0x89: {  	s3 =	sld [smem:$0x3FFE];
	_ =	sdelay $0x1  }
0x8a: {  	s1 =	srdreg.scid  }
0x8b: {  	s0 =	sand.u32 $0x1, s1  }
0x8c: {  	s17 =	sshll.u32 s0, $0xA;
	s2 =	sadd.s32 s3, s2  }
0x8d: {  	s2 =	sadd.s32 s2, s17  }
0x8e: {  	[smem:$0x3FBE] =	sst s2  }
0x8f: {  	_ = 	snop  }
0x90: {  	s2 =	sld [smem:$0x3FD0];
	(tm) =	ssettm $0x1  }
0x91: {  	s18 =	sld [smem:$0x3FFB];
	_ =	sdelay $0x3  }
0x92: {  	_ =	strace s18  }
0x93: {  	s3 =	sld [smem:$0x3FFC];
	_ =	sdelay $0x3  }
0x94: {  	_ =	strace s3  }
0x95: {  	s3 =	sld [smem:$0x3FFD];
	_ =	sdelay $0x3  }
0x96: {  	_ =	strace s3  }
0x97: {  	_ =	strace $0x8FFFFFFF  }
0x98: {  	s19 =	sld [smem:$0x3FDB];
	_ =	sdelay $0x1  }
0x99: {  	s4 =	simm.s32 $_scs_section_size  }
0x9a: {  	s5 =	simm.s32 $_size__tile_overlayer_lowered;
	s6 =	simm.s32 $_tile_overlayer_lowered  }
0x9b: {  	s22 =	simm.s32 $0x1BFF;
	s21 =	sshll.u32 s6, $0x1;
	s3 =	sadd.s32 s4, s19  }
0x9c: {  	s7 =	simm.s32 $0x0;
	s20 =	sshll.u32 s5, $0x1;
	s5 =	sadd.s32 s21, s3  }
0x9d: {  	[timem:s7], [sflag:s22] =	dma.local [hbm:s5], s20  }
0x9e: {  	_ =	swait.ge [sflag:s22], s20  }
0x9f: {  	s4 =	ssub.s32 $0x0, s20;
	[sflag:s22] =	ssyncset.done $0x0  }
0xa0: {  	[sflag:s22] =	ssyncadd.s32 s4;
	_ =	sdelay $0x1  }
0xa1: {  	s23 =	simm.s32 $0x1B8B  }
0xa2: {  	_ =	swait.ge [sflag:s23], $0x1  }
0xa3: {  	[sflag:s23] =	ssyncset.done $0x0  }
0xa4: {  	s25 =	simm.s32 $0x1B8E;
	s24 =	sld [smem:$0x3FFE];
	[sflag:s23] =	ssyncadd.s32 $0xFFFFFFFF  }
0xa5: {  	s26 =	simm.s32 $execute0_lowered;
	[smem:$0x3FD2] =	sst s25  }
0xa6: {  	s5 =	sshll.u32 s26, $0x1;
	_ =	strace $0x80000046;
	[dreg:$0x1] =	wrdreg $0xFFFFFFFF  }
0xa7: {  	s28 =	simm.s32 $_size_execute0_lowered;
	s3 =	sadd.s32 s3, s5;
	[dreg:$0x0] =	wrdreg $0x0  }
0xa8: {  	s5 =	sshll.u32 s28, $0x1;
	[dreg:$0x2] =	wrdreg s3  }
0xa9: {  	[dreg:$0x3] =	wrdreg s5  }
0xaa: {  	[dreg:$0x4] =	wrdreg $0xC0  }
0xab: {  	_ =	task [dreg:s7], $0x5FFFF  }
0xac: {  	[dreg:$0x1] =	wrdreg $0xFFFFFFFF  }
0xad: {  	[dreg:$0x0] =	wrdreg $0x60  }
0xae: {  	[dreg:$0x2] =	wrdreg s2  }
0xaf: {  	[dreg:$0x3] =	wrdreg s24  }
0xb0: {  	[dreg:$0x4] =	wrdreg $0x90000  }
0xb1: {  	[dreg:$0x5] =	wrdreg $0x180000  }
0xb2: {  	[dreg:$0x6] =	wrdreg $0xA  }
0xb3: {  	_ =	task.clear_ibuf [dreg:s7], $0x7FFFF;
	_ =	strace $0x90000046  }
0xb4: {  	s29 =	simm.s32 $0xA;
	_ =	strace $0x80000048  }
0xb5: {  	_ =	swait.ge [sflag:s29], $0x1  }
0xb6: {  	[sflag:s29] =	ssyncadd.s32 $0xFFFFFFFF  }
0xb7: {  	_ =	strace $0x90000048  }
0xb8: {  	_ =	sfence  }
0xb9: {  	s30 =	sld [smem:$0x0];
	_ =	sdelay $0x2  }
0xba: {  	s31 =	sshll.u32 s1, $0xD;
	s1 =	sshrl.u32 s1, $0x2  }
0xbb: {  	s3 =	sand.u32 $0x4000, s31;
	s1 =	sadd.s32 s1, s30  }
0xbc: {  	s0 =	sor.u32 s3, s0;
	s1 =	sshll.u32 s1, $0x11  }
0xbd: {  	s0 =	sor.u32 s1, s0  }
0xbe: {  	s0 =	sadd.s32 $0x8F2B, s0  }
0xbf: {  	[sflag:s0] =	ssyncadd.remote.s32 $0x1  }
0xc0: {  	_ =	sfence.sel $0xFFFF  }
0xc1: {  	[dreg:$0x0] =	wrdreg $0xFFFFFFFF;
	(pc) =	sbr.abs _section_cstart, $3  }
0xc2: {  	[dreg:$0x1] =	wrdreg $0xFFFFFFFF  }
0xc3: {  	_ =	task.clear_ibuf [dreg:s7], $0x2FFFF;
	_ =	strace $0x9FFFFFFF  }
0xc4: {  	(tm) =	ssettm $0x7FFFFFFF  }
0xc5: {  	_ =	shalt  }
tec
execute0_lowered:
.L_overlay_start_1:
0x0: {  	(tag) =	ssettag $0x1  }
0x1: {  	s1 =	rddreg [dreg:$0x0]  }
0x2: {  	s0 =	srdreg.scid;
	s6 =	rddreg [dreg:$0x1]  }
0x3: {  	s20 =	stileid.u32;
	s4 =	rddreg [dreg:$0x3];
	s5 =	simm.s32 $0x0  }
0x4: {  	s14 =	simm.s32 $0x3;
	s16 =	simm.s32 $0x5000;
	s9 =	smul.u32 $0xF000, s20  }
0x5: {  	s17 =	simm.s32 $0x7800;
	s18 =	simm.s32 $0x80;
	s10 =	smul.u32 $0xA00, s20  }
0x6: {  	s19 =	simm.s32 $0x8400;
	s28 =	simm.s32 $0x4F80;
	s25 =	smul.u32 $0x2800, s20  }
0x7: {  	s29 =	simm.s32 $0x7780;
	s2 =	sand.u32 $0x1, s0;
	s26 =	smul.u32 $0x3C000, s20  }
0x8: {  	s30 =	simm.s32 $0x0;
	[smem:$0x7FF] =	sst s5;
	s8 =	smul.u32 $0xF0000, s2  }
0x9: {  	s3 =	sshll.u32 s2, $0x4;
	s11 =	smul.u32 $0xA000, s2;
	s2 =	ssub.s32 $0x2, s2  }
0xa: {  	s3 =	sor.u32 s20, s3;
	s24 =	sshrl.u32 s2, $0x1;
	s15 =	sadd.s32 s10, s4  }
0xb: {  	s31 =	sshrl.u32 s26, $0x2;
	s20 =	simm.s32 $0x1;
	s26 =	simm.s32 $0x7700  }
0xc: {  	s7 =	smul.u32 $0x500, s3;
	s3 =	rddreg [dreg:$0x2];
	_ =	strace $0x80000047  }
0xd: {  	s21 =	sadd.s32 s9, s8;
	s22 =	sadd.s32 s10, s11;
	s2 =	ssub.s32 s2, s24  }
0xe: {  	s11 =	sshrl.u32 s25, $0x2;
	s24 =	simm.s32 $0x4F00;
	s25 =	sshrl.u32 s15, $0x3  }
0xf: {  	s8 =	sshrl.u32 s22, $0x3;
	s10 =	smax.u32 s2, $0x1;
	s11 =	sadd.s32 s11, s4  }
0x10: {  	s2 =	sadd.s32 s31, s3;
	s22 =	simm.s32 $0x2;
	s12 =	sadd.s32 s7, s6  }
0x11: {  	s7 =	sshrl.u32 s21, $0x3;
	s23 =	sadd.s32 s8, s6;
	s21 =	simm.s32 $0x4  }
0x12: {  	s13 =	sadd.s32 s7, s6;
	s6 =	sadd.s32 $0x1E00, s12;
	s7 =	sadd.s32 $0x15A00, s12  }
0x13: {  	v0 =	vimm.f32 $0.0e+00;
	s8 =	sadd.s32 $0x1FA00, s12;
	s9 =	sadd.s32 $0xBE00, s23;
	s13 =	sadd.s32 $0x29A00, s13  }
.LBB2_1:
0x14: {  	[tilespmem:s5], [sflag:$0x3] =	stream.linear.gather [hbm4b:s6+s5], $0x2800, $0x38;
	[tilespmem:$0x18A00] =	vst v63  }
0x15: {  	_ =	swait.ge [sflag:s14], $0x2800  }
0x16: {  	[sflag:s14] =	ssyncset.done $0x0  }
0x17: {  	s0 =	simm.s32 $0x2800;
	[sflag:s14] =	ssyncadd.s32 $0xFFFFD800  }
0x18: {  	[tilespmem:s0], [sflag:$0x3] =	stream.linear.gather [hbm4b:s7+s5], $0x2800, $0x38;
	[tilespmem:$0x18A00] =	vst v63  }
0x19: {  	_ =	swait.ge [sflag:s14], $0x2800  }
0x1a: {  	[sflag:s14] =	ssyncset.done $0x0  }
0x1b: {  	[sflag:s14] =	ssyncadd.s32 $0xFFFFD800  }
0x1c: {  	[tilespmem:s16], [sflag:$0x3] =	stream.linear.gather [hbm4b:s8+s5], $0x2800, $0x38;
	[tilespmem:$0x18A00] =	vst v63  }
0x1d: {  	_ =	swait.ge [sflag:s14], $0x2800  }
0x1e: {  	[sflag:s14] =	ssyncset.done $0x0  }
0x1f: {  	s15 =	simm.s32 $0x0;
	[sflag:s14] =	ssyncadd.s32 $0xFFFFD800  }
0x20: {  	s12 =	simm.s32 $0x60;
	[tilespmem:s15+$0x7800] =	vst v0  }
.LBB2_2:
0x21: {  	p0 =	sne.s32 s12, $0x2FA0;
	[tilespmem:s15+$0x7808] =	vst v0;
	s15 =	smov.u32 s12;
	s12 =	sadd.s32 $0x60, s12  }
.Ltmp0:
0x22: {  	(pc) =	sbr.rel @p0 .LBB2_2-.Ltmp0, $3  }
0x23: {  	_ =	sdelay $0x1  }
0x24: {  	s15 =	sshra.s32 s15, $0x2  }
0x25: {  	[tilespmem:s15+$0x7800] =	vst v0  }
0x26: {  	[tilespmem:s15+$0x7808] =	vst v0  }
0x27: {  	[tilespmem:$0x5000] =	vst v0  }
0x28: {  	[tilespmem:$0x5010] =	vst v0  }
0x29: {  	[tilespmem:$0x5020] =	vst v0  }
0x2a: {  	[tilespmem:$0x5030] =	vst v0  }
0x2b: {  	[tilespmem:$0x5040] =	vst v0  }
0x2c: {  	[tilespmem:$0x5050] =	vst v0  }
0x2d: {  	[tilespmem:$0x5060] =	vst v0  }
0x2e: {  	[tilespmem:$0x5070] =	vst v0  }
0x2f: {  	[spmem:s2] =	stream.linear.scatter [tilespmem:s17], [sflag:$0x3], $0xC00, $0x38;
	[tilespmem:$0x18A00] =	vst v63  }
0x30: {  	_ =	swait.ge [sflag:s14], $0xC00  }
0x31: {  	[sflag:s14] =	ssyncset.done $0x0  }
0x32: {  	s12 =	sadd.s32 $0x0, s11;
	[sflag:s14] =	ssyncadd.s32 $0xFFFFF400  }
0x33: {  	[spmem:s12] =	stream.linear.scatter [tilespmem:s16], [sflag:$0x3], $0x80, $0x38;
	[tilespmem:$0x18A00] =	vst v63  }
0x34: {  	_ =	swait.ge [sflag:s14], $0x80  }
0x35: {  	s31 =	simm.s32 $0x200;
	s12 =	smov.u32 s2;
	[sflag:s14] =	ssyncset.done $0x0  }
.LBB2_4:
0x36: {  	p0 =	sne.s32 s31, $0x2600;
	[sflag:s14] =	ssyncadd.s32 $0xFFFFFF80;
	s12 =	sadd.s32 $0xC00, s12  }
0x37: {  	[spmem:s12] =	stream.linear.scatter [tilespmem:s17], [sflag:$0x3], $0xC00, $0x38;
	[tilespmem:$0x18A00] =	vst v63  }
0x38: {  	s15 =	smov.u32 s31;
	s31 =	sadd.s32 $0x200, s31;
	_ =	swait.ge [sflag:s14], $0xC00  }
.Ltmp1:
0x39: {  	s15 =	sshra.s32 s15, $0x2;
	[sflag:s14] =	ssyncset.done $0x0;
	(pc) =	sbr.rel @p0 .LBB2_4-.Ltmp1, $4  }
0x3a: {  	s15 =	sadd.s32 s15, s11;
	[sflag:s14] =	ssyncadd.s32 $0xFFFFF400  }
0x3b: {  	[spmem:s15] =	stream.linear.scatter [tilespmem:s16], [sflag:$0x3], $0x80, $0x38;
	[tilespmem:$0x18A00] =	vst v63  }
0x3c: {  	_ =	swait.ge [sflag:s14], $0x80  }
0x3d: {  	[sflag:s14] =	ssyncset.done $0x0  }
0x3e: {  	[sflag:s14] =	ssyncadd.s32 $0xFFFFFF80  }
0x3f: {  	s12 =	simm.s32 $0x0;
	[bflag:$0x0] =	sbarrier.arrive $0xFFFF  }
0x40: {  	[tilespmem:s16], [sflag:$0x3] =	stream.linear.gather [hbm4b:s8+s12], $0x2800, $0x38;
	[tilespmem:$0x18A00] =	vst v63  }
0x41: {  	_ =	swait.ge [sflag:s14], $0x2800  }
0x42: {  	[sflag:s14] =	ssyncset.done $0x0  }
0x43: {  	[sflag:s14] =	ssyncadd.s32 $0xFFFFD800  }
0x44: {  	[tilespmem:s17], [sflag:$0x1] =	stream.indirect.gather [hbm4b:s1+s18], $0x18, s12, s18, $0xb8;
	[tilespmem:$0x18A00] =	vst v63  }
0x45: {  	s15 =	simm.s32 $0x80  }
0x46: {  	[tilespmem:s19], [sflag:$0x2] =	stream.indirect.gather [hbm4b:s1+s18], $0x18, s15, s18, $0xb8;
	[tilespmem:$0x18A00] =	vst v63  }
0x47: {  	_ =	swait.ge [sflag:s20], $0xC00  }
0x48: {  	[sflag:s20] =	ssyncset.done $0x0  }
0x49: {  	s23 =	simm.s32 $0x2800;
	[sflag:s20] =	ssyncadd.s32 $0xFFFFF400  }
0x4a: {  	[spmem:s3] =	stream.indirect.scatter.add.f32 [tilespmem:s17], [sflag:$0x4], $0x18, s23, s18, $0xb8;
	[tilespmem:$0x18A00] =	vst v63  }
0x4b: {  	_ =	swait.ge [sflag:s21], $0xC00  }
0x4c: {  	[sflag:s21] =	ssyncset.done $0x0  }
0x4d: {  	s15 =	simm.s32 $0x5000;
	[sflag:s21] =	ssyncadd.s32 $0xFFFFF400  }
0x4e: {  	[spmem:s4] =	stream.indirect.scatter.add.f32 [tilespmem:s15], [sflag:$0x4], $0x1, s23, s18, $0xb8;
	[tilespmem:$0x18A00] =	vst v63  }
0x4f: {  	_ =	swait.ge [sflag:s21], $0x80  }
0x50: {  	[sflag:s21] =	ssyncset.done $0x0  }
0x51: {  	s0 =	simm.s32 $0x100;
	[sflag:s21] =	ssyncadd.s32 $0xFFFFFF80  }
0x52: {  	[tilespmem:s17], [sflag:$0x1] =	stream.indirect.gather [hbm4b:s1+s18], $0x18, s0, s18, $0xb8;
	[tilespmem:$0x18A00] =	vst v63  }
0x53: {  	_ =	swait.ge [sflag:s22], $0xC00  }
0x54: {  	[sflag:s22] =	ssyncset.done $0x0  }
0x55: {  	s15 =	simm.s32 $0x2880;
	[sflag:s22] =	ssyncadd.s32 $0xFFFFF400  }
0x56: {  	[spmem:s3] =	stream.indirect.scatter.add.f32 [tilespmem:s19], [sflag:$0x4], $0x18, s15, s18, $0xb8;
	[tilespmem:$0x18A00] =	vst v63  }
0x57: {  	_ =	swait.ge [sflag:s21], $0xC00  }
0x58: {  	[sflag:s21] =	ssyncset.done $0x0  }
0x59: {  	s23 =	simm.s32 $0x5080;
	[sflag:s21] =	ssyncadd.s32 $0xFFFFF400  }
0x5a: {  	[spmem:s4] =	stream.indirect.scatter.add.f32 [tilespmem:s23], [sflag:$0x3], $0x1, s15, s18, $0xb8;
	[tilespmem:$0x18A00] =	vst v63  }
0x5b: {  	_ =	swait.ge [sflag:s14], $0x80  }
0x5c: {  	s31 =	simm.s32 $0x100;
	s12 =	simm.s32 $0x800;
	[sflag:s14] =	ssyncset.done $0x0  }
.LBB2_6:
0x5d: {  	s15 =	sadd.s32 $0x80, s31  }
0x5e: {  	[sflag:s14] =	ssyncadd.s32 $0xFFFFFF80;
	s23 =	smov.u32 s12;
	s0 =	sadd.s32 $0x400, s12  }
0x5f: {  	[tilespmem:s19], [sflag:$0x2] =	stream.indirect.gather [hbm4b:s1+s18], $0x18, s15, s18, $0xb8;
	[tilespmem:$0x18A00] =	vst v63  }
0x60: {  	p0 =	sne.s32 s12, $0x9800;
	_ =	swait.ge [sflag:s20], $0xC00  }
0x61: {  	[sflag:s20] =	ssyncset.done $0x0  }
0x62: {  	s12 =	sadd.s32 $0x2800, s31;
	[sflag:s20] =	ssyncadd.s32 $0xFFFFF400  }
0x63: {  	[spmem:s3] =	stream.indirect.scatter.add.f32 [tilespmem:s17], [sflag:$0x4], $0x18, s12, s18, $0xb8;
	[tilespmem:$0x18A00] =	vst v63  }
0x64: {  	_ =	swait.ge [sflag:s21], $0xC00  }
0x65: {  	[sflag:s21] =	ssyncset.done $0x0  }
0x66: {  	s15 =	sadd.s32 $0x5000, s31;
	[sflag:s21] =	ssyncadd.s32 $0xFFFFF400  }
0x67: {  	[spmem:s4] =	stream.indirect.scatter.add.f32 [tilespmem:s15], [sflag:$0x4], $0x1, s12, s18, $0xb8;
	[tilespmem:$0x18A00] =	vst v63  }
0x68: {  	_ =	swait.ge [sflag:s21], $0x80  }
0x69: {  	[sflag:s21] =	ssyncset.done $0x0  }
0x6a: {  	s12 =	sadd.s32 $0x100, s31;
	[sflag:s21] =	ssyncadd.s32 $0xFFFFFF80  }
0x6b: {  	[tilespmem:s17], [sflag:$0x1] =	stream.indirect.gather [hbm4b:s1+s18], $0x18, s12, s18, $0xb8;
	[tilespmem:$0x18A00] =	vst v63  }
0x6c: {  	_ =	swait.ge [sflag:s22], $0xC00  }
0x6d: {  	[sflag:s22] =	ssyncset.done $0x0  }
0x6e: {  	s12 =	sadd.s32 $0x2880, s31;
	[sflag:s22] =	ssyncadd.s32 $0xFFFFF400  }
0x6f: {  	[spmem:s3] =	stream.indirect.scatter.add.f32 [tilespmem:s19], [sflag:$0x4], $0x18, s12, s18, $0xb8;
	[tilespmem:$0x18A00] =	vst v63  }
0x70: {  	_ =	swait.ge [sflag:s21], $0xC00  }
.Ltmp2:
0x71: {  	[sflag:s21] =	ssyncset.done $0x0;
	(pc) =	sbr.rel @p0 .LBB2_6-.Ltmp2, $4  }
0x72: {  	s15 =	sadd.s32 $0x5080, s31;
	[sflag:s21] =	ssyncadd.s32 $0xFFFFF400  }
0x73: {  	[spmem:s4] =	stream.indirect.scatter.add.f32 [tilespmem:s15], [sflag:$0x3], $0x1, s12, s18, $0xb8;
	[tilespmem:$0x18A00] =	vst v63  }
0x74: {  	_ =	swait.ge [sflag:s14], $0x80  }
0x75: {  	s31 =	sshra.s32 s23, $0x2;
	s12 =	smov.u32 s0;
	[sflag:s14] =	ssyncset.done $0x0  }
0x76: {  	s0 =	sadd.s32 $0x80, s31;
	[sflag:s14] =	ssyncadd.s32 $0xFFFFFF80  }
0x77: {  	[tilespmem:s19], [sflag:$0x2] =	stream.indirect.gather [hbm4b:s1+s18], $0x18, s0, s18, $0xb8;
	[tilespmem:$0x18A00] =	vst v63  }
0x78: {  	_ =	swait.ge [sflag:s20], $0xC00  }
0x79: {  	[sflag:s20] =	ssyncset.done $0x0  }
0x7a: {  	s15 =	sadd.s32 $0x2800, s31;
	[sflag:s20] =	ssyncadd.s32 $0xFFFFF400  }
0x7b: {  	[spmem:s3] =	stream.indirect.scatter.add.f32 [tilespmem:s17], [sflag:$0x4], $0x18, s15, s18, $0xb8;
	[tilespmem:$0x18A00] =	vst v63  }
0x7c: {  	_ =	swait.ge [sflag:s21], $0xC00  }
0x7d: {  	[sflag:s21] =	ssyncset.done $0x0  }
0x7e: {  	s12 =	sadd.s32 $0x5000, s31;
	[sflag:s21] =	ssyncadd.s32 $0xFFFFF400  }
0x7f: {  	[spmem:s4] =	stream.indirect.scatter.add.f32 [tilespmem:s12], [sflag:$0x4], $0x1, s15, s18, $0xb8;
	[tilespmem:$0x18A00] =	vst v63  }
0x80: {  	_ =	swait.ge [sflag:s21], $0x80  }
0x81: {  	[sflag:s21] =	ssyncset.done $0x0  }
0x82: {  	s23 =	sadd.s32 $0x100, s31;
	[sflag:s21] =	ssyncadd.s32 $0xFFFFFF80  }
0x83: {  	[tilespmem:s17], [sflag:$0x1] =	stream.indirect.gather [hbm4b:s1+s18], $0x18, s23, s18, $0xb8;
	[tilespmem:$0x18A00] =	vst v63  }
0x84: {  	_ =	swait.ge [sflag:s22], $0xC00  }
0x85: {  	[sflag:s22] =	ssyncset.done $0x0  }
0x86: {  	s12 =	sadd.s32 $0x2880, s31;
	[sflag:s22] =	ssyncadd.s32 $0xFFFFF400  }
0x87: {  	[spmem:s3] =	stream.indirect.scatter.add.f32 [tilespmem:s19], [sflag:$0x4], $0x18, s12, s18, $0xb8;
	[tilespmem:$0x18A00] =	vst v63  }
0x88: {  	_ =	swait.ge [sflag:s21], $0xC00  }
0x89: {  	[sflag:s21] =	ssyncset.done $0x0  }
0x8a: {  	s15 =	sadd.s32 $0x5080, s31;
	[sflag:s21] =	ssyncadd.s32 $0xFFFFF400  }
0x8b: {  	[spmem:s4] =	stream.indirect.scatter.add.f32 [tilespmem:s15], [sflag:$0x3], $0x1, s12, s18, $0xb8;
	[tilespmem:$0x18A00] =	vst v63  }
0x8c: {  	_ =	swait.ge [sflag:s14], $0x80  }
0x8d: {  	[sflag:s14] =	ssyncset.done $0x0  }
0x8e: {  	s23 =	simm.s32 $0x2780;
	[sflag:s14] =	ssyncadd.s32 $0xFFFFFF80  }
0x8f: {  	[tilespmem:s19], [sflag:$0x2] =	stream.indirect.gather [hbm4b:s1+s18], $0x18, s23, s18, $0xb8;
	[tilespmem:$0x18A00] =	vst v63  }
0x90: {  	_ =	swait.ge [sflag:s20], $0xC00  }
0x91: {  	[sflag:s20] =	ssyncset.done $0x0  }
0x92: {  	[sflag:s20] =	ssyncadd.s32 $0xFFFFF400  }
0x93: {  	[spmem:s3] =	stream.indirect.scatter.add.f32 [tilespmem:s17], [sflag:$0x4], $0x18, s24, s18, $0xb8;
	[tilespmem:$0x18A00] =	vst v63  }
0x94: {  	_ =	swait.ge [sflag:s21], $0xC00  }
0x95: {  	[sflag:s21] =	ssyncset.done $0x0  }
0x96: {  	[sflag:s21] =	ssyncadd.s32 $0xFFFFF400  }
0x97: {  	[spmem:s4] =	stream.indirect.scatter.add.f32 [tilespmem:s26], [sflag:$0x4], $0x1, s24, s18, $0xb8;
	[tilespmem:$0x18A00] =	vst v63  }
0x98: {  	_ =	swait.ge [sflag:s21], $0x80  }
0x99: {  	[sflag:s21] =	ssyncset.done $0x0  }
0x9a: {  	[sflag:s21] =	ssyncadd.s32 $0xFFFFFF80  }
0x9b: {  	_ =	swait.ge [sflag:s22], $0xC00  }
0x9c: {  	[sflag:s22] =	ssyncset.done $0x0  }
0x9d: {  	[sflag:s22] =	ssyncadd.s32 $0xFFFFF400  }
0x9e: {  	[spmem:s3] =	stream.indirect.scatter.add.f32 [tilespmem:s19], [sflag:$0x4], $0x18, s28, s18, $0xb8;
	[tilespmem:$0x18A00] =	vst v63  }
0x9f: {  	_ =	swait.ge [sflag:s21], $0xC00  }
0xa0: {  	[sflag:s21] =	ssyncset.done $0x0  }
0xa1: {  	[sflag:s21] =	ssyncadd.s32 $0xFFFFF400  }
0xa2: {  	[spmem:s4] =	stream.indirect.scatter.add.f32 [tilespmem:s29], [sflag:$0x3], $0x1, s28, s18, $0xb8;
	[tilespmem:$0x18A00] =	vst v63  }
0xa3: {  	_ =	swait.ge [sflag:s14], $0x80  }
0xa4: {  	s12 =	stileid.u32;
	[sflag:s14] =	ssyncset.done $0x0  }
0xa5: {  	s15 =	sadd.s32 $0x0, s13;
	s0 =	sshll.u32 s12, $0x6;
	[sflag:s14] =	ssyncadd.s32 $0xFFFFFF80  }
0xa6: {  	s31 =	sor.u32 $0x1C03, s0;
	s23 =	sshrl.u32 s2, $0x3;
	[bflag:$0x0] =	sbarrier.arrive $0xFFFF  }
0xa7: {  	[hbm:s15], [sflag:s31] =	dma.local [spmem:s23], $0x180  }
0xa8: {  	s12 =	simm.s32 $0x180;
	s15 =	sadd.s32 $0xC00, s2;
	_ =	swait.ge [sflag:s14], $0x180  }
.LBB2_8:
0xa9: {  	s0 =	sadd.s32 s12, s13;
	[sflag:s14] =	ssyncset.done $0x0;
	p0 =	sne.s32 s12, $0x1C80  }
.Ltmp3:
0xaa: {  	s23 =	sshrl.u32 s15, $0x3;
	[sflag:s14] =	ssyncadd.s32 $0xFFFFFE80;
	(pc) =	sbr.rel @p0 .LBB2_8-.Ltmp3, $3  }
0xab: {  	[hbm:s0], [sflag:s31] =	dma.local [spmem:s23], $0x180  }
0xac: {  	s12 =	sadd.s32 $0x180, s12;
	_ =	sdelay $0x1  }
0xad: {  	s15 =	sadd.s32 $0xC00, s15;
	_ =	swait.ge [sflag:s14], $0x180  }
0xae: {  	s30 =	sadd.s32 $0x1, s30  }
0xaf: {  	[sflag:s14] =	ssyncset.done $0x0;
	p0 =	sne.s32 s30, s10  }
.Ltmp4:
0xb0: {  	[sflag:s14] =	ssyncadd.s32 $0xFFFFFE80;
	(pc) =	sbr.rel @p0 .LBB2_1-.Ltmp4, $4  }
0xb1: {  	[hbm:s9], [sflag:s31] =	dma.local [spmem:s25], $0x140  }
0xb2: {  	_ =	swait.ge [sflag:s14], $0x140  }
0xb3: {  	[sflag:s14] =	ssyncset.done $0x0  }
0xb4: {  	[sflag:s14] =	ssyncadd.s32 $0xFFFFFEC0  }
0xb5: {  	_ =	sfence.sel $0x180000  }
0xb6: {  	[bflag:$0x0] =	sbarrier.arrive $0xFFFF  }
0xb7: {  	_ =	strace $0x90000047  }
0xb8: {  	s0 =	stileid.u32;
	[bflag:$0x2] =	sbarrier.arrive $0xFFFF  }
0xb9: {  	p0 =	sne.s32 s0, $0x0;
	s0 =	rddreg [dreg:$0x4]  }
0xba: {  	s0 =	sadd.s32 @!p0 $0x100000, s0  }
0xbb: {  	[sflag:s0] =	ssyncadd.tile.s32 @!p0 $0x1;
	_ =	shalt  }
.Lfunc_end2:
_tile_overlayer_lowered:
.L_overlay_start_2:
0xbc: {  	(tag) =	ssettag $0x2  }
0xbd: {  	s0 =	rddreg [dreg:$0x0];
	s2 =	stileid.u32  }
0xbe: {  	s1 =	rddreg [dreg:$0x1];
	p0 =	sne.s32 s2, $0x0  }
0xbf: {  	s3 =	rddreg [dreg:$0x2];
	[bflag:$0x3] =	sbarrier.arrive $0xFFFF;
	s2 =	simm.s32 @!p0 $0x1C03  }
0xc0: {  	[timem:s3], [sflag:s2] =	dma.local @!p0 [hbm:s0], s1  }
0xc1: {  	s0 =	simm.s32 @!p0 $0x3  }
0xc2: {  	_ =	swait.ge @!p0 [sflag:s0], s1  }
0xc3: {  	s1 =	ssub.s32 @!p0 $0x0, s1;
	[sflag:s0] =	ssyncset.done @!p0 $0x0  }
0xc4: {  	[sflag:s0] =	ssyncadd.s32 @!p0 s1  }
0xc5: {  	[bflag:$0x3] =	sbarrier.arrive $0xFFFF  }
0xc6: {  	_ =	shalt  }

</sc_bundles>
